<compile_context>
chip_gen: v7x
topology: tpu7x:2x2x1
jax: 0.10.2.dev20260603
libtpu: 0.0.44.dev20260713+nightly
codegen_flags: <defaults>
</compile_context>

<pallas_src>
import functools
import math

import jax
import jax.numpy as jnp
from jax import lax
from jax.experimental import pallas as pl
from jax.experimental.pallas import tpu as pltpu
from jax.experimental.pallas import tpu_sc as plsc

F = 128
N_RBF = 20
R_CUT = 5.0
N_NODES = 10000


_BE_SS = 6400


def _sumsq_body(r_ref, out_ref):
    i = pl.program_id(0)

    @pl.when(i == 0)
    def _():
        out_ref[0, 0] = 0.0

    blk = r_ref[...]
    out_ref[0, 0] += jnp.sum(blk * blk)


def _sumsq(rt):
    E = rt.shape[1]
    return pl.pallas_call(
        _sumsq_body,
        grid=(E // _BE_SS,),
        in_specs=[pl.BlockSpec((3, _BE_SS), lambda i: (0, i))],
        out_specs=pl.BlockSpec((1, 1), lambda i: (0, 0),
                               memory_space=pltpu.SMEM),
        out_shape=jax.ShapeDtypeStruct((1, 1), jnp.float32),
    )(rt)



_BE = 3200


def _msg_body(s_ref, rt_ref, v_ref, wphi_ref, bphi_ref, ww_ref, bw_ref,
              ss_ref, out_ref):
    sblk = s_ref[:, 0, :]
    phi = jnp.dot(sblk, wphi_ref[...],
                  preferred_element_type=jnp.float32) + bphi_ref[...]

    rt = rt_ref[...]
    rn2t = jnp.sum(rt * rt, axis=0, keepdims=True)
    invt = lax.rsqrt(rn2t)
    rnt = rn2t * invt
    nvals = ((lax.broadcasted_iota(jnp.int32, (N_RBF, 1), 0) + 1)
             .astype(jnp.float32) * (math.pi / R_CUT))
    rbt = jnp.sin(rnt * nvals) * invt
    rbt = jnp.where(rbt <= R_CUT,
                    0.5 * (jnp.cos(rbt * (math.pi / R_CUT)) + 1.0),
                    0.0)
    w = lax.dot_general(rbt, ww_ref[...],
                        dimension_numbers=(((0,), (0,)), ((), ())),
                        preferred_element_type=jnp.float32) + bw_ref[...]

    split = w * phi
    s0 = split[:, :F]
    s1 = split[:, F:2 * F]
    s2 = split[:, 2 * F:]

    ginv = lax.rsqrt(ss_ref[0, 0])
    di = lax.broadcasted_iota(jnp.int32, (3, 3 * F), 0)
    dj = lax.broadcasted_iota(jnp.int32, (3, 3 * F), 1) // F
    sel = jnp.where(di == dj, ginv, 0.0)
    rdb = lax.dot_general(rt, sel,
                          dimension_numbers=(((0,), (0,)), ((), ())),
                          preferred_element_type=jnp.float32)
    out_ref[0] = s1
    for d in range(3):
        out_ref[d + 1] = (s0 * v_ref[d]
                          + s2 * rdb[:, d * F:(d + 1) * F])


def _edge_messages(s3, rt, vt, W_phi, b_phi2, W_w, b_w2, ss):
    E = s3.shape[0]
    return pl.pallas_call(
        _msg_body,
        grid=(E // _BE,),
        in_specs=[
            pl.BlockSpec((_BE, 1, F), lambda i: (i, 0, 0)),
            pl.BlockSpec((3, _BE), lambda i: (0, i)),
            pl.BlockSpec((3, _BE, F), lambda i: (0, i, 0)),
            pl.BlockSpec((F, 3 * F), lambda i: (0, 0)),
            pl.BlockSpec((1, 3 * F), lambda i: (0, 0)),
            pl.BlockSpec((N_RBF, 3 * F), lambda i: (0, 0)),
            pl.BlockSpec((1, 3 * F), lambda i: (0, 0)),
            pl.BlockSpec((1, 1), lambda i: (0, 0), memory_space=pltpu.SMEM),
        ],
        out_specs=pl.BlockSpec((4, _BE, F), lambda i: (0, i, 0)),
        out_shape=jax.ShapeDtypeStruct((4, E, F), jnp.float32),
    )(s3, rt, vt, W_phi, b_phi2, W_w, b_w2, ss)



_C = 128
_CA = 80


def _sc_segment_sum(msg, idx3, zrows, E):
    n_tiles = 16
    ech = E // _C
    ach = N_NODES // _CA

    mesh = plsc.VectorSubcoreMesh(core_axis_name="c", subcore_axis_name="s")

    @functools.partial(
        pl.kernel,
        mesh=mesh,
        out_type=jax.ShapeDtypeStruct((4, N_NODES, F), jnp.float32),
        scratch_types=[
            pltpu.VMEM((_C,), jnp.int32),
            pltpu.VMEM((_C,), jnp.int32),
            pltpu.VMEM((_C, F), jnp.float32),
            pltpu.VMEM((_C, F), jnp.float32),
            pltpu.VMEM((_CA, F), jnp.float32),
            pltpu.VMEM_SHARED((N_NODES, F), jnp.float32),
            pltpu.SemaphoreType.DMA,
            pltpu.SemaphoreType.DMA,
        ],
    )
    def run(msg_hbm, idx_hbm, zrows_hbm, out_hbm, idx_v0, idx_v1, rows_v0,
            rows_v1, zbuf_v, acc, sem0, sem1):
        core = lax.axis_index("c")
        sub = lax.axis_index("s")
        my_acc_chunks = (ach - sub + n_tiles - 1) // n_tiles
        uni = ech // n_tiles
        tail = ech - uni * n_tiles

        for p in range(2):
            plane = core * 2 + p

            pltpu.sync_copy(zrows_hbm, zbuf_v)

            def zbody(k, carry):
                ci = sub + n_tiles * k
                pltpu.sync_copy(zbuf_v, acc.at[pl.ds(ci * _CA, _CA)])
                return carry

            lax.fori_loop(0, my_acc_chunks, zbody, 0)
            plsc.subcore_barrier()

            bufs = ((idx_v0, rows_v0, sem0), (idx_v1, rows_v1, sem1))

            def start(b, k):
                ch = sub + n_tiles * k
                iv, rv, sem = bufs[b]
                pltpu.async_copy(idx_hbm.at[ch, 0], iv, sem)
                pltpu.async_copy(msg_hbm.at[plane, pl.ds(ch * _C, _C)], rv,
                                 sem)

            def finish(b, k):
                ch = sub + n_tiles * k
                iv, rv, sem = bufs[b]
                pltpu.make_async_copy(idx_hbm.at[ch, 0], iv, sem).wait()
                pltpu.make_async_copy(
                    msg_hbm.at[plane, pl.ds(ch * _C, _C)], rv, sem).wait()
                pltpu.sync_copy(rv, acc.at[iv], add=True)

            npairs = uni // 2
            start(0, 0)

            def gbody(g, carry):
                k0 = 2 * g
                start(1, k0 + 1)
                finish(0, k0)

                @pl.when(g + 1 < npairs)
                def _():
                    start(0, k0 + 2)

                finish(1, k0 + 1)
                return carry

            lax.fori_loop(0, npairs, gbody, 0)

            @pl.when(sub < tail)
            def _():
                ch = uni * n_tiles + sub
                pltpu.sync_copy(idx_hbm.at[ch, 0], idx_v0)
                pltpu.sync_copy(msg_hbm.at[plane, pl.ds(ch * _C, _C)],
                                rows_v0)
                pltpu.sync_copy(rows_v0, acc.at[idx_v0], add=True)

            plsc.subcore_barrier()

            def fbody(k, carry):
                ci = sub + n_tiles * k
                pltpu.sync_copy(acc.at[pl.ds(ci * _CA, _CA)],
                                out_hbm.at[plane, pl.ds(ci * _CA, _CA)])
                return carry

            lax.fori_loop(0, my_acc_chunks, fbody, 0)
            plsc.subcore_barrier()

    return run(msg, idx3, zrows)



_BN = 2000


def _unpack_body(acc_ref, outv_ref, outs_ref):
    outs_ref[:, 0, :] = acc_ref[0]
    for d in range(3):
        outv_ref[d] = acc_ref[d + 1]


def _unpack(acc4):
    return pl.pallas_call(
        _unpack_body,
        grid=(N_NODES // _BN,),
        in_specs=[pl.BlockSpec((4, _BN, F), lambda i: (0, i, 0))],
        out_specs=[
            pl.BlockSpec((3, _BN, F), lambda i: (0, i, 0)),
            pl.BlockSpec((_BN, 1, F), lambda i: (i, 0, 0)),
        ],
        out_shape=[
            jax.ShapeDtypeStruct((3, N_NODES, F), jnp.float32),
            jax.ShapeDtypeStruct((N_NODES, 1, F), jnp.float32),
        ],
    )(acc4)



def kernel(s, r, v, W_phi, b_phi, W_w, b_w, idx_i):
    E = s.shape[0]
    idx = idx_i.astype(jnp.int32)
    b_phi2 = b_phi.reshape(1, 3 * F)
    b_w2 = b_w.reshape(1, 3 * F)

    rt = r.T
    vt = v.transpose(1, 0, 2)
    ss = _sumsq(rt)
    msg = _edge_messages(s, rt, vt, W_phi, b_phi2, W_w, b_w2, ss)
    zrows = jnp.zeros((_CA, F), dtype=jnp.float32)
    idx = idx.reshape(E // _C, 1, _C)
    acc4 = _sc_segment_sum(msg, idx, zrows, E)
    outv3, out_s = _unpack(acc4)
    out_v = outv3.transpose(1, 0, 2)
    return (out_v, out_s)

# --- scband reference (transcript-rebuilt; emitter-appended) ---
"""Pipeline reference for scband-message-79869211837100 (READ-ONLY COPY).

The authoritative reference and input builder live on the scoring server;
editing this copy changes nothing except your own understanding.
"""

import jax, jax.numpy as jnp
import numpy as np

E = 160000
N_NODES = 10000
F = 128
N_RBF = 20
R_CUT = 5.0


def setup_inputs(seed: int = 0) -> dict:
    key = jax.random.key(seed)
    ks = jax.random.split(key, 8)
    s = jax.random.normal(ks[0], (E, 1, F), dtype=jnp.float32)
    r = jax.random.normal(ks[1], (E, 3), dtype=jnp.float32)
    v = jax.random.normal(ks[2], (E, 3, F), dtype=jnp.float32)
    idx_i = jax.random.randint(ks[3], (E,), 0, N_NODES)
    # phi layer: Linear(F -> 3F)
    W_phi = jax.random.normal(ks[4], (F, 3 * F), dtype=jnp.float32) / np.sqrt(F)
    b_phi = jnp.zeros((3 * F,), dtype=jnp.float32)
    # w layer: Linear(N_RBF -> 3F)
    W_w = jax.random.normal(ks[5], (N_RBF, 3 * F), dtype=jnp.float32) / np.sqrt(N_RBF)
    b_w = jnp.zeros((3 * F,), dtype=jnp.float32)
    return {"s": s, "r": r, "v": v, "W_phi": W_phi, "b_phi": b_phi,
            "W_w": W_w, "b_w": b_w, "idx_i": idx_i}


def _rbf(r, n):
    n_values = jnp.arange(1, n + 1, dtype=jnp.float32)          # [n]
    r_norms = jnp.linalg.norm(r, axis=1, keepdims=True)          # [E,1]
    r_norms = r_norms[:, :, None]                                # [E,1,1] -> bcast [E,1,n]
    return jnp.sin(n_values * jnp.pi / R_CUT * r_norms) / r_norms


def _fcut(t, r_c):
    return jnp.where(t <= r_c, 0.5 * (jnp.cos(jnp.pi * t / r_c) + 1.0), jnp.zeros_like(t))


def reference(s, r, v, W_phi, b_phi, W_w, b_w, idx_i):
    # phi(s): [E,1,3F]
    phi_out = jnp.matmul(s, W_phi) + b_phi
    # org_r = r.detach().clone()
    org_r = jax.lax.stop_gradient(r)
    rb = _rbf(r, N_RBF)                      # [E,1,N_RBF]
    rb = _fcut(rb, R_CUT)
    w = jnp.matmul(rb, W_w) + b_w            # [E,1,3F]
    split = w * phi_out                      # hadamard, [E,1,3F]
    s0 = split[:, :, :F]
    s1 = split[:, :, F:2 * F]
    s2 = split[:, :, 2 * F:]
    # scatter-add of s1 into per-node scalar messages
    out_s = jax.ops.segment_sum(s1, idx_i, num_segments=N_NODES)   # [N,1,F]
    org_r = org_r / jnp.linalg.norm(org_r)
    org_r = jnp.repeat(org_r[:, :, None], F, axis=2)               # [E,3,F]
    org_r = s2 * org_r                                             # bcast [E,1,F]*[E,3,F]
    v2 = s0 * v                                                    # [E,3,F]
    v2 = org_r + v2
    out_v = jax.ops.segment_sum(v2, idx_i, num_segments=N_NODES)   # [N,3,F]
    return (out_v, out_s)

if __name__ == "__main__":
    import jax
    _d = setup_inputs()
    print(jax.jit(kernel)(*tuple(_d.values())))

</pallas_src>

<mosaic_0001>
#map = affine_map<(d0, d1) -> (0, 0, 0)>
#map1 = affine_map<(d0, d1) -> (0, 0)>
module attributes {stable_mosaic.version = 14 : i64} {
  func.func @run(%arg0: i32, %arg1: i32, %arg2: memref<4x160000x128xf32, #tpu.memory_space<hbm>>, %arg3: memref<1250x1x128xi32, #tpu.memory_space<hbm>>, %arg4: memref<80x128xf32, #tpu.memory_space<hbm>>, %arg5: memref<4x10000x128xf32, #tpu.memory_space<hbm>>, %arg6: memref<128xi32, #tpu.memory_space<vmem>>, %arg7: memref<128xi32, #tpu.memory_space<vmem>>, %arg8: memref<128x128xf32, #tpu.memory_space<vmem>>, %arg9: memref<128x128xf32, #tpu.memory_space<vmem>>, %arg10: memref<80x128xf32, #tpu.memory_space<vmem>>, %arg11: memref<10000x128xf32, #tpu.memory_space<vmem_shared>>, %arg12: memref<!tpu.dma_semaphore, #tpu.memory_space<semaphore_mem>>, %arg13: memref<!tpu.dma_semaphore, #tpu.memory_space<semaphore_mem>>) attributes {dimension_semantics = [#tpu.dimension_semantics<core_parallel>, #tpu.dimension_semantics<subcore_parallel>], iteration_bounds = array<i64: 2, 16>, scalar_prefetch = 0 : i64, scratch_operands = 8 : i64, tpu.core_type = #tpu.core_type<sc_vector_subcore>, window_params = [{transform_indices = #map}, {transform_indices = #map}, {transform_indices = #map1}, {transform_indices = #map}]} {
    %sub3A = arith.constant 125 : i32
    %sub3A_0 = arith.subi %sub3A, %arg1 : i32
    %add3A = arith.constant 16 : i32
    %add3A_1 = arith.addi %sub3A_0, %add3A : i32
    %sub3A_2 = arith.constant 1 : i32
    %sub3A_3 = arith.subi %add3A_1, %sub3A_2 : i32
    %jit3A = arith.constant 16 : i32
    %div3A = arith.divsi %sub3A_3, %jit3A : i32
    %sign3A = arith.constant 0 : i32
    %sign3A_4 = arith.cmpi sgt, %sub3A_3, %sign3A : i32
    %sign3A_5 = arith.extui %sign3A_4 : i1 to i32
    %sign3A_6 = arith.constant 0 : i32
    %sign3A_7 = arith.cmpi slt, %sub3A_3, %sign3A_6 : i32
    %sign3A_8 = arith.extui %sign3A_7 : i1 to i32
    %sign3A_9 = arith.subi %sign3A_5, %sign3A_8 : i32
    %sign3A_10 = arith.constant 0 : i32
    %sign3A_11 = arith.cmpi sgt, %jit3A, %sign3A_10 : i32
    %sign3A_12 = arith.extui %sign3A_11 : i1 to i32
    %sign3A_13 = arith.constant 0 : i32
    %sign3A_14 = arith.cmpi slt, %jit3A, %sign3A_13 : i32
    %sign3A_15 = arith.extui %sign3A_14 : i1 to i32
    %sign3A_16 = arith.subi %sign3A_12, %sign3A_15 : i32
    %ne3A = arith.cmpi ne, %sign3A_9, %sign3A_16 : i32
    %rem3A = arith.remsi %sub3A_3, %jit3A : i32
    %ne3A_17 = arith.constant 0 : i32
    %ne3A_18 = arith.cmpi ne, %rem3A, %ne3A_17 : i32
    %and3A = arith.andi %ne3A, %ne3A_18 : i1
    %sub3A_19 = arith.constant 1 : i32
    %sub3A_20 = arith.subi %div3A, %sub3A_19 : i32
    %select_n3A = arith.select %and3A, %sub3A_20, %div3A : i32
    %mul3A = arith.constant 2 : i32
    %mul3A_21 = arith.muli %arg0, %mul3A : i32
    %add3A_22 = arith.constant 0 : i32
    %add3A_23 = arith.addi %mul3A_21, %add3A_22 : i32
    "tpu.region"() ({
      %run_scoped3A = tpu.sem_alloc : memref<!tpu.dma_semaphore, #tpu.memory_space<semaphore_mem>>
      tpu.enqueue_dma source(%arg4 : memref<80x128xf32, #tpu.memory_space<hbm>>) target(%arg10 : memref<80x128xf32, #tpu.memory_space<vmem>>) target_semaphore(%run_scoped3A : memref<!tpu.dma_semaphore, #tpu.memory_space<semaphore_mem>>)
      tpu.wait_dma2 semaphore(%run_scoped3A : memref<!tpu.dma_semaphore, #tpu.memory_space<semaphore_mem>>) src(%arg4 : memref<80x128xf32, #tpu.memory_space<hbm>>) dst(%arg10 : memref<80x128xf32, #tpu.memory_space<vmem>>)
      tpu.yield
    }) : () -> ()
    %while3A = arith.constant 0 : i32
    %while3A_24 = arith.constant 0 : i32
    %while3A_25 = arith.subi %select_n3A, %while3A_24 : i32
    %while3A_26 = arith.addi %while3A_24, %while3A_25 : i32
    %while3A_27 = arith.constant 1 : i32
    %while3A_28 = arith.divsi %while3A_25, %while3A_27 : i32
    %while3A_29 = arith.muli %while3A_28, %while3A_27 : i32
    %while3A_30 = arith.addi %while3A_24, %while3A_29 : i32
    %while3A_31 = arith.constant 1 : i32
    scf.for %while3A_123 = %while3A_24 to %while3A_30 step %while3A_31  : i32 {
      %mul3A_124 = arith.constant 16 : i32
      %mul3A_125 = arith.muli %mul3A_124, %while3A_123 : i32
      %add3A_126 = arith.addi %arg1, %mul3A_125 : i32
      %mul3A_127 = arith.constant 80 : i32
      %mul3A_128 = arith.muli %add3A_126, %mul3A_127 : i32
      "tpu.region"() ({
        %run_scoped3A = tpu.sem_alloc : memref<!tpu.dma_semaphore, #tpu.memory_space<semaphore_mem>>
        %dma_start3A_129 = arith.constant 0 : i32
        %dma_start3A_130 = tpu.memref_slice %arg11[%mul3A_128, %dma_start3A_129] : memref<10000x128xf32, #tpu.memory_space<vmem_shared>> -> memref<80x128xf32, #tpu.memory_space<vmem_shared>>
        %dma_start3A_131 = arith.constant 0 : i32
        %dma_start3A_132 = tpu.memref_slice %arg11[%mul3A_128, %dma_start3A_131] : memref<10000x128xf32, #tpu.memory_space<vmem_shared>> -> memref<80x128xf32, #tpu.memory_space<vmem_shared>>
        tpu.enqueue_dma source(%arg10 : memref<80x128xf32, #tpu.memory_space<vmem>>) target(%dma_start3A_132 : memref<80x128xf32, #tpu.memory_space<vmem_shared>>) target_semaphore(%run_scoped3A : memref<!tpu.dma_semaphore, #tpu.memory_space<semaphore_mem>>)
        %dma_wait3A = arith.constant 0 : i32
        %dma_wait3A_133 = tpu.memref_slice %arg11[%mul3A_128, %dma_wait3A] : memref<10000x128xf32, #tpu.memory_space<vmem_shared>> -> memref<80x128xf32, #tpu.memory_space<vmem_shared>>
        %dma_wait3A_134 = arith.constant 0 : i32
        %dma_wait3A_135 = tpu.memref_slice %arg11[%mul3A_128, %dma_wait3A_134] : memref<10000x128xf32, #tpu.memory_space<vmem_shared>> -> memref<80x128xf32, #tpu.memory_space<vmem_shared>>
        tpu.wait_dma2 semaphore(%run_scoped3A : memref<!tpu.dma_semaphore, #tpu.memory_space<semaphore_mem>>) src(%arg10 : memref<80x128xf32, #tpu.memory_space<vmem>>) dst(%dma_wait3A_135 : memref<80x128xf32, #tpu.memory_space<vmem_shared>>)
        tpu.yield
      }) : () -> ()
    }
    %while3A_32 = arith.constant 1 : i32
    scf.for %while3A_123 = %while3A_30 to %while3A_26 step %while3A_32  : i32 {
      %mul3A_124 = arith.constant 16 : i32
      %mul3A_125 = arith.muli %mul3A_124, %while3A_123 : i32
      %add3A_126 = arith.addi %arg1, %mul3A_125 : i32
      %mul3A_127 = arith.constant 80 : i32
      %mul3A_128 = arith.muli %add3A_126, %mul3A_127 : i32
      "tpu.region"() ({
        %run_scoped3A = tpu.sem_alloc : memref<!tpu.dma_semaphore, #tpu.memory_space<semaphore_mem>>
        %dma_start3A_129 = arith.constant 0 : i32
        %dma_start3A_130 = tpu.memref_slice %arg11[%mul3A_128, %dma_start3A_129] : memref<10000x128xf32, #tpu.memory_space<vmem_shared>> -> memref<80x128xf32, #tpu.memory_space<vmem_shared>>
        %dma_start3A_131 = arith.constant 0 : i32
        %dma_start3A_132 = tpu.memref_slice %arg11[%mul3A_128, %dma_start3A_131] : memref<10000x128xf32, #tpu.memory_space<vmem_shared>> -> memref<80x128xf32, #tpu.memory_space<vmem_shared>>
        tpu.enqueue_dma source(%arg10 : memref<80x128xf32, #tpu.memory_space<vmem>>) target(%dma_start3A_132 : memref<80x128xf32, #tpu.memory_space<vmem_shared>>) target_semaphore(%run_scoped3A : memref<!tpu.dma_semaphore, #tpu.memory_space<semaphore_mem>>)
        %dma_wait3A = arith.constant 0 : i32
        %dma_wait3A_133 = tpu.memref_slice %arg11[%mul3A_128, %dma_wait3A] : memref<10000x128xf32, #tpu.memory_space<vmem_shared>> -> memref<80x128xf32, #tpu.memory_space<vmem_shared>>
        %dma_wait3A_134 = arith.constant 0 : i32
        %dma_wait3A_135 = tpu.memref_slice %arg11[%mul3A_128, %dma_wait3A_134] : memref<10000x128xf32, #tpu.memory_space<vmem_shared>> -> memref<80x128xf32, #tpu.memory_space<vmem_shared>>
        tpu.wait_dma2 semaphore(%run_scoped3A : memref<!tpu.dma_semaphore, #tpu.memory_space<semaphore_mem>>) src(%arg10 : memref<80x128xf32, #tpu.memory_space<vmem>>) dst(%dma_wait3A_135 : memref<80x128xf32, #tpu.memory_space<vmem_shared>>)
        tpu.yield
      }) : () -> ()
    }
    %barrier3A = arith.constant 0 : index
    tpu.barrier barrier_id(%barrier3A)
    %add3A_33 = arith.constant 0 : i32
    %add3A_34 = arith.addi %arg1, %add3A_33 : i32
    %dma_start3A = arith.constant 0 : i32
    %dma_start3A_35 = arith.constant 0 : i32
    %dma_start3A_36 = tpu.memref_slice %arg3[%add3A_34, %dma_start3A, %dma_start3A_35] : memref<1250x1x128xi32, #tpu.memory_space<hbm>> -> memref<1x1x128xi32, #tpu.memory_space<hbm>>
    %dma_start3A_37 = tpu.memref_squeeze %dma_start3A_36 : memref<1x1x128xi32, #tpu.memory_space<hbm>> -> memref<128xi32, #tpu.memory_space<hbm>>
    %dma_start3A_38 = arith.constant 0 : i32
    %dma_start3A_39 = tpu.memref_slice %arg3[%add3A_34, %dma_start3A, %dma_start3A_38] : memref<1250x1x128xi32, #tpu.memory_space<hbm>> -> memref<1x1x128xi32, #tpu.memory_space<hbm>>
    %dma_start3A_40 = tpu.memref_squeeze %dma_start3A_39 : memref<1x1x128xi32, #tpu.memory_space<hbm>> -> memref<128xi32, #tpu.memory_space<hbm>>
    tpu.enqueue_dma source(%dma_start3A_40 : memref<128xi32, #tpu.memory_space<hbm>>) target(%arg6 : memref<128xi32, #tpu.memory_space<vmem>>) target_semaphore(%arg12 : memref<!tpu.dma_semaphore, #tpu.memory_space<semaphore_mem>>)
    %mul3A_41 = arith.constant 128 : i32
    %mul3A_42 = arith.muli %add3A_34, %mul3A_41 : i32
    %dma_start3A_43 = arith.constant 0 : i32
    %dma_start3A_44 = tpu.memref_slice %arg2[%add3A_23, %mul3A_42, %dma_start3A_43] : memref<4x160000x128xf32, #tpu.memory_space<hbm>> -> memref<1x128x128xf32, #tpu.memory_space<hbm>>
    %dma_start3A_45 = tpu.memref_squeeze %dma_start3A_44 : memref<1x128x128xf32, #tpu.memory_space<hbm>> -> memref<128x128xf32, #tpu.memory_space<hbm>>
    %dma_start3A_46 = arith.constant 0 : i32
    %dma_start3A_47 = tpu.memref_slice %arg2[%add3A_23, %mul3A_42, %dma_start3A_46] : memref<4x160000x128xf32, #tpu.memory_space<hbm>> -> memref<1x128x128xf32, #tpu.memory_space<hbm>>
    %dma_start3A_48 = tpu.memref_squeeze %dma_start3A_47 : memref<1x128x128xf32, #tpu.memory_space<hbm>> -> memref<128x128xf32, #tpu.memory_space<hbm>>
    tpu.enqueue_dma source(%dma_start3A_48 : memref<128x128xf32, #tpu.memory_space<hbm>>) target(%arg8 : memref<128x128xf32, #tpu.memory_space<vmem>>) target_semaphore(%arg12 : memref<!tpu.dma_semaphore, #tpu.memory_space<semaphore_mem>>)
    %scan3A = arith.constant 0 : i32
    %scan3A_49 = arith.constant 0 : i32
    %scan3A_50 = arith.constant 39 : i32
    %scan3A_51 = arith.addi %scan3A_49, %scan3A_50 : i32
    %scan3A_52 = arith.constant 1 : i32
    scf.for %scan3A_123 = %scan3A_49 to %scan3A_51 step %scan3A_52  : i32 {
      %mul3A_124 = arith.constant 2 : i32
      %mul3A_125 = arith.muli %mul3A_124, %scan3A_123 : i32
      %add3A_126 = arith.constant 1 : i32
      %add3A_127 = arith.addi %mul3A_125, %add3A_126 : i32
      %mul3A_128 = arith.constant 16 : i32
      %mul3A_129 = arith.muli %mul3A_128, %add3A_127 : i32
      %add3A_130 = arith.addi %arg1, %mul3A_129 : i32
      %dma_start3A_131 = arith.constant 0 : i32
      %dma_start3A_132 = arith.constant 0 : i32
      %dma_start3A_133 = tpu.memref_slice %arg3[%add3A_130, %dma_start3A_131, %dma_start3A_132] : memref<1250x1x128xi32, #tpu.memory_space<hbm>> -> memref<1x1x128xi32, #tpu.memory_space<hbm>>
      %dma_start3A_134 = tpu.memref_squeeze %dma_start3A_133 : memref<1x1x128xi32, #tpu.memory_space<hbm>> -> memref<128xi32, #tpu.memory_space<hbm>>
      %dma_start3A_135 = arith.constant 0 : i32
      %dma_start3A_136 = tpu.memref_slice %arg3[%add3A_130, %dma_start3A_131, %dma_start3A_135] : memref<1250x1x128xi32, #tpu.memory_space<hbm>> -> memref<1x1x128xi32, #tpu.memory_space<hbm>>
      %dma_start3A_137 = tpu.memref_squeeze %dma_start3A_136 : memref<1x1x128xi32, #tpu.memory_space<hbm>> -> memref<128xi32, #tpu.memory_space<hbm>>
      tpu.enqueue_dma source(%dma_start3A_137 : memref<128xi32, #tpu.memory_space<hbm>>) target(%arg7 : memref<128xi32, #tpu.memory_space<vmem>>) target_semaphore(%arg13 : memref<!tpu.dma_semaphore, #tpu.memory_space<semaphore_mem>>)
      %mul3A_138 = arith.constant 128 : i32
      %mul3A_139 = arith.muli %add3A_130, %mul3A_138 : i32
      %dma_start3A_140 = arith.constant 0 : i32
      %dma_start3A_141 = tpu.memref_slice %arg2[%add3A_23, %mul3A_139, %dma_start3A_140] : memref<4x160000x128xf32, #tpu.memory_space<hbm>> -> memref<1x128x128xf32, #tpu.memory_space<hbm>>
      %dma_start3A_142 = tpu.memref_squeeze %dma_start3A_141 : memref<1x128x128xf32, #tpu.memory_space<hbm>> -> memref<128x128xf32, #tpu.memory_space<hbm>>
      %dma_start3A_143 = arith.constant 0 : i32
      %dma_start3A_144 = tpu.memref_slice %arg2[%add3A_23, %mul3A_139, %dma_start3A_143] : memref<4x160000x128xf32, #tpu.memory_space<hbm>> -> memref<1x128x128xf32, #tpu.memory_space<hbm>>
      %dma_start3A_145 = tpu.memref_squeeze %dma_start3A_144 : memref<1x128x128xf32, #tpu.memory_space<hbm>> -> memref<128x128xf32, #tpu.memory_space<hbm>>
      tpu.enqueue_dma source(%dma_start3A_145 : memref<128x128xf32, #tpu.memory_space<hbm>>) target(%arg9 : memref<128x128xf32, #tpu.memory_space<vmem>>) target_semaphore(%arg13 : memref<!tpu.dma_semaphore, #tpu.memory_space<semaphore_mem>>)
      %mul3A_146 = arith.constant 16 : i32
      %mul3A_147 = arith.muli %mul3A_146, %mul3A_125 : i32
      %add3A_148 = arith.addi %arg1, %mul3A_147 : i32
      %dma_wait3A = arith.constant 0 : i32
      %dma_wait3A_149 = arith.constant 0 : i32
      %dma_wait3A_150 = tpu.memref_slice %arg3[%add3A_148, %dma_wait3A, %dma_wait3A_149] : memref<1250x1x128xi32, #tpu.memory_space<hbm>> -> memref<1x1x128xi32, #tpu.memory_space<hbm>>
      %dma_wait3A_151 = tpu.memref_squeeze %dma_wait3A_150 : memref<1x1x128xi32, #tpu.memory_space<hbm>> -> memref<128xi32, #tpu.memory_space<hbm>>
      %dma_wait3A_152 = arith.constant 0 : i32
      %dma_wait3A_153 = tpu.memref_slice %arg3[%add3A_148, %dma_wait3A, %dma_wait3A_152] : memref<1250x1x128xi32, #tpu.memory_space<hbm>> -> memref<1x1x128xi32, #tpu.memory_space<hbm>>
      %dma_wait3A_154 = tpu.memref_squeeze %dma_wait3A_153 : memref<1x1x128xi32, #tpu.memory_space<hbm>> -> memref<128xi32, #tpu.memory_space<hbm>>
      tpu.wait_dma2 semaphore(%arg12 : memref<!tpu.dma_semaphore, #tpu.memory_space<semaphore_mem>>) src(%dma_wait3A_154 : memref<128xi32, #tpu.memory_space<hbm>>) dst(%arg6 : memref<128xi32, #tpu.memory_space<vmem>>)
      %mul3A_155 = arith.constant 128 : i32
      %mul3A_156 = arith.muli %add3A_148, %mul3A_155 : i32
      %dma_wait3A_157 = arith.constant 0 : i32
      %dma_wait3A_158 = tpu.memref_slice %arg2[%add3A_23, %mul3A_156, %dma_wait3A_157] : memref<4x160000x128xf32, #tpu.memory_space<hbm>> -> memref<1x128x128xf32, #tpu.memory_space<hbm>>
      %dma_wait3A_159 = tpu.memref_squeeze %dma_wait3A_158 : memref<1x128x128xf32, #tpu.memory_space<hbm>> -> memref<128x128xf32, #tpu.memory_space<hbm>>
      %dma_wait3A_160 = arith.constant 0 : i32
      %dma_wait3A_161 = tpu.memref_slice %arg2[%add3A_23, %mul3A_156, %dma_wait3A_160] : memref<4x160000x128xf32, #tpu.memory_space<hbm>> -> memref<1x128x128xf32, #tpu.memory_space<hbm>>
      %dma_wait3A_162 = tpu.memref_squeeze %dma_wait3A_161 : memref<1x128x128xf32, #tpu.memory_space<hbm>> -> memref<128x128xf32, #tpu.memory_space<hbm>>
      tpu.wait_dma2 semaphore(%arg12 : memref<!tpu.dma_semaphore, #tpu.memory_space<semaphore_mem>>) src(%dma_wait3A_162 : memref<128x128xf32, #tpu.memory_space<hbm>>) dst(%arg8 : memref<128x128xf32, #tpu.memory_space<vmem>>)
      "tpu.region"() ({
        %run_scoped3A = tpu.sem_alloc : memref<!tpu.dma_semaphore, #tpu.memory_space<semaphore_mem>>
        %dma_start3A_190 = arith.constant 0 : i32
        %dma_start3A_191 = arith.constant 0 : i32
        %dma_start3A_192 = tpu.memref_slice %arg11[%dma_start3A_190, %dma_start3A_191] : memref<10000x128xf32, #tpu.memory_space<vmem_shared>> -> memref<10000x128xf32, #tpu.memory_space<vmem_shared>>
        tpu.enqueue_indirect_dma source(%arg8 : memref<128x128xf32, #tpu.memory_space<vmem>>) target(%dma_start3A_192 : memref<10000x128xf32, #tpu.memory_space<vmem_shared>>) offsets(%arg6 : memref<128xi32, #tpu.memory_space<vmem>>) semaphore(%run_scoped3A : memref<!tpu.dma_semaphore, #tpu.memory_space<semaphore_mem>>) {add = true}
        %dma_wait3A_193 = arith.constant 0 : i32
        %dma_wait3A_194 = arith.constant 0 : i32
        %dma_wait3A_195 = tpu.memref_slice %arg11[%dma_wait3A_193, %dma_wait3A_194] : memref<10000x128xf32, #tpu.memory_space<vmem_shared>> -> memref<10000x128xf32, #tpu.memory_space<vmem_shared>>
        tpu.wait_indirect_dma semaphore(%run_scoped3A : memref<!tpu.dma_semaphore, #tpu.memory_space<semaphore_mem>>) src(%arg8 : memref<128x128xf32, #tpu.memory_space<vmem>>) dst(%dma_wait3A_195 : memref<10000x128xf32, #tpu.memory_space<vmem_shared>>)
        tpu.yield
      }) : () -> ()
      %add3A_163 = arith.constant 1 : i32
      %add3A_164 = arith.addi %scan3A_123, %add3A_163 : i32
      %lt3A_165 = arith.constant 39 : i32
      %lt3A_166 = arith.cmpi slt, %add3A_164, %lt3A_165 : i32
      %convert_element_type3A_167 = arith.extui %lt3A_166 : i1 to i32
      %cond3A_168 = arith.constant 0 : i32
      %cond3A_169 = arith.cmpi ne, %convert_element_type3A_167, %cond3A_168 : i32
      scf.if %cond3A_169 {
        %add3A_190 = arith.constant 2 : i32
        %add3A_191 = arith.addi %mul3A_125, %add3A_190 : i32
        %mul3A_192 = arith.constant 16 : i32
        %mul3A_193 = arith.muli %mul3A_192, %add3A_191 : i32
        %add3A_194 = arith.addi %arg1, %mul3A_193 : i32
        %dma_start3A_195 = arith.constant 0 : i32
        %dma_start3A_196 = arith.constant 0 : i32
        %dma_start3A_197 = tpu.memref_slice %arg3[%add3A_194, %dma_start3A_195, %dma_start3A_196] : memref<1250x1x128xi32, #tpu.memory_space<hbm>> -> memref<1x1x128xi32, #tpu.memory_space<hbm>>
        %dma_start3A_198 = tpu.memref_squeeze %dma_start3A_197 : memref<1x1x128xi32, #tpu.memory_space<hbm>> -> memref<128xi32, #tpu.memory_space<hbm>>
        %dma_start3A_199 = arith.constant 0 : i32
        %dma_start3A_200 = tpu.memref_slice %arg3[%add3A_194, %dma_start3A_195, %dma_start3A_199] : memref<1250x1x128xi32, #tpu.memory_space<hbm>> -> memref<1x1x128xi32, #tpu.memory_space<hbm>>
        %dma_start3A_201 = tpu.memref_squeeze %dma_start3A_200 : memref<1x1x128xi32, #tpu.memory_space<hbm>> -> memref<128xi32, #tpu.memory_space<hbm>>
        tpu.enqueue_dma source(%dma_start3A_201 : memref<128xi32, #tpu.memory_space<hbm>>) target(%arg6 : memref<128xi32, #tpu.memory_space<vmem>>) target_semaphore(%arg12 : memref<!tpu.dma_semaphore, #tpu.memory_space<semaphore_mem>>)
        %mul3A_202 = arith.constant 128 : i32
        %mul3A_203 = arith.muli %add3A_194, %mul3A_202 : i32
        %dma_start3A_204 = arith.constant 0 : i32
        %dma_start3A_205 = tpu.memref_slice %arg2[%add3A_23, %mul3A_203, %dma_start3A_204] : memref<4x160000x128xf32, #tpu.memory_space<hbm>> -> memref<1x128x128xf32, #tpu.memory_space<hbm>>
        %dma_start3A_206 = tpu.memref_squeeze %dma_start3A_205 : memref<1x128x128xf32, #tpu.memory_space<hbm>> -> memref<128x128xf32, #tpu.memory_space<hbm>>
        %dma_start3A_207 = arith.constant 0 : i32
        %dma_start3A_208 = tpu.memref_slice %arg2[%add3A_23, %mul3A_203, %dma_start3A_207] : memref<4x160000x128xf32, #tpu.memory_space<hbm>> -> memref<1x128x128xf32, #tpu.memory_space<hbm>>
        %dma_start3A_209 = tpu.memref_squeeze %dma_start3A_208 : memref<1x128x128xf32, #tpu.memory_space<hbm>> -> memref<128x128xf32, #tpu.memory_space<hbm>>
        tpu.enqueue_dma source(%dma_start3A_209 : memref<128x128xf32, #tpu.memory_space<hbm>>) target(%arg8 : memref<128x128xf32, #tpu.memory_space<vmem>>) target_semaphore(%arg12 : memref<!tpu.dma_semaphore, #tpu.memory_space<semaphore_mem>>)
      } else {
      }
      %add3A_170 = arith.constant 1 : i32
      %add3A_171 = arith.addi %mul3A_125, %add3A_170 : i32
      %mul3A_172 = arith.constant 16 : i32
      %mul3A_173 = arith.muli %mul3A_172, %add3A_171 : i32
      %add3A_174 = arith.addi %arg1, %mul3A_173 : i32
      %dma_wait3A_175 = arith.constant 0 : i32
      %dma_wait3A_176 = arith.constant 0 : i32
      %dma_wait3A_177 = tpu.memref_slice %arg3[%add3A_174, %dma_wait3A_175, %dma_wait3A_176] : memref<1250x1x128xi32, #tpu.memory_space<hbm>> -> memref<1x1x128xi32, #tpu.memory_space<hbm>>
      %dma_wait3A_178 = tpu.memref_squeeze %dma_wait3A_177 : memref<1x1x128xi32, #tpu.memory_space<hbm>> -> memref<128xi32, #tpu.memory_space<hbm>>
      %dma_wait3A_179 = arith.constant 0 : i32
      %dma_wait3A_180 = tpu.memref_slice %arg3[%add3A_174, %dma_wait3A_175, %dma_wait3A_179] : memref<1250x1x128xi32, #tpu.memory_space<hbm>> -> memref<1x1x128xi32, #tpu.memory_space<hbm>>
      %dma_wait3A_181 = tpu.memref_squeeze %dma_wait3A_180 : memref<1x1x128xi32, #tpu.memory_space<hbm>> -> memref<128xi32, #tpu.memory_space<hbm>>
      tpu.wait_dma2 semaphore(%arg13 : memref<!tpu.dma_semaphore, #tpu.memory_space<semaphore_mem>>) src(%dma_wait3A_181 : memref<128xi32, #tpu.memory_space<hbm>>) dst(%arg7 : memref<128xi32, #tpu.memory_space<vmem>>)
      %mul3A_182 = arith.constant 128 : i32
      %mul3A_183 = arith.muli %add3A_174, %mul3A_182 : i32
      %dma_wait3A_184 = arith.constant 0 : i32
      %dma_wait3A_185 = tpu.memref_slice %arg2[%add3A_23, %mul3A_183, %dma_wait3A_184] : memref<4x160000x128xf32, #tpu.memory_space<hbm>> -> memref<1x128x128xf32, #tpu.memory_space<hbm>>
      %dma_wait3A_186 = tpu.memref_squeeze %dma_wait3A_185 : memref<1x128x128xf32, #tpu.memory_space<hbm>> -> memref<128x128xf32, #tpu.memory_space<hbm>>
      %dma_wait3A_187 = arith.constant 0 : i32
      %dma_wait3A_188 = tpu.memref_slice %arg2[%add3A_23, %mul3A_183, %dma_wait3A_187] : memref<4x160000x128xf32, #tpu.memory_space<hbm>> -> memref<1x128x128xf32, #tpu.memory_space<hbm>>
      %dma_wait3A_189 = tpu.memref_squeeze %dma_wait3A_188 : memref<1x128x128xf32, #tpu.memory_space<hbm>> -> memref<128x128xf32, #tpu.memory_space<hbm>>
      tpu.wait_dma2 semaphore(%arg13 : memref<!tpu.dma_semaphore, #tpu.memory_space<semaphore_mem>>) src(%dma_wait3A_189 : memref<128x128xf32, #tpu.memory_space<hbm>>) dst(%arg9 : memref<128x128xf32, #tpu.memory_space<vmem>>)
      "tpu.region"() ({
        %run_scoped3A = tpu.sem_alloc : memref<!tpu.dma_semaphore, #tpu.memory_space<semaphore_mem>>
        %dma_start3A_190 = arith.constant 0 : i32
        %dma_start3A_191 = arith.constant 0 : i32
        %dma_start3A_192 = tpu.memref_slice %arg11[%dma_start3A_190, %dma_start3A_191] : memref<10000x128xf32, #tpu.memory_space<vmem_shared>> -> memref<10000x128xf32, #tpu.memory_space<vmem_shared>>
        tpu.enqueue_indirect_dma source(%arg9 : memref<128x128xf32, #tpu.memory_space<vmem>>) target(%dma_start3A_192 : memref<10000x128xf32, #tpu.memory_space<vmem_shared>>) offsets(%arg7 : memref<128xi32, #tpu.memory_space<vmem>>) semaphore(%run_scoped3A : memref<!tpu.dma_semaphore, #tpu.memory_space<semaphore_mem>>) {add = true}
        %dma_wait3A_193 = arith.constant 0 : i32
        %dma_wait3A_194 = arith.constant 0 : i32
        %dma_wait3A_195 = tpu.memref_slice %arg11[%dma_wait3A_193, %dma_wait3A_194] : memref<10000x128xf32, #tpu.memory_space<vmem_shared>> -> memref<10000x128xf32, #tpu.memory_space<vmem_shared>>
        tpu.wait_indirect_dma semaphore(%run_scoped3A : memref<!tpu.dma_semaphore, #tpu.memory_space<semaphore_mem>>) src(%arg9 : memref<128x128xf32, #tpu.memory_space<vmem>>) dst(%dma_wait3A_195 : memref<10000x128xf32, #tpu.memory_space<vmem_shared>>)
        tpu.yield
      }) : () -> ()
    }
    %scan3A_53 = arith.constant 39 : i32
    %lt3A = arith.constant 2 : i32
    %lt3A_54 = arith.cmpi slt, %arg1, %lt3A : i32
    %convert_element_type3A = arith.extui %lt3A_54 : i1 to i32
    %cond3A = arith.constant 0 : i32
    %cond3A_55 = arith.cmpi ne, %convert_element_type3A, %cond3A : i32
    scf.if %cond3A_55 {
      %add3A_123 = arith.constant 1248 : i32
      %add3A_124 = arith.addi %add3A_123, %arg1 : i32
      %run_scoped3A = arith.constant 0 : i32
      "tpu.region"() ({
        %run_scoped3A_127 = tpu.sem_alloc : memref<!tpu.dma_semaphore, #tpu.memory_space<semaphore_mem>>
        %dma_start3A_128 = arith.constant 0 : i32
        %dma_start3A_129 = tpu.memref_slice %arg3[%add3A_124, %run_scoped3A, %dma_start3A_128] : memref<1250x1x128xi32, #tpu.memory_space<hbm>> -> memref<1x1x128xi32, #tpu.memory_space<hbm>>
        %dma_start3A_130 = tpu.memref_squeeze %dma_start3A_129 : memref<1x1x128xi32, #tpu.memory_space<hbm>> -> memref<128xi32, #tpu.memory_space<hbm>>
        %dma_start3A_131 = arith.constant 0 : i32
        %dma_start3A_132 = tpu.memref_slice %arg3[%add3A_124, %run_scoped3A, %dma_start3A_131] : memref<1250x1x128xi32, #tpu.memory_space<hbm>> -> memref<1x1x128xi32, #tpu.memory_space<hbm>>
        %dma_start3A_133 = tpu.memref_squeeze %dma_start3A_132 : memref<1x1x128xi32, #tpu.memory_space<hbm>> -> memref<128xi32, #tpu.memory_space<hbm>>
        tpu.enqueue_dma source(%dma_start3A_133 : memref<128xi32, #tpu.memory_space<hbm>>) target(%arg6 : memref<128xi32, #tpu.memory_space<vmem>>) target_semaphore(%run_scoped3A_127 : memref<!tpu.dma_semaphore, #tpu.memory_space<semaphore_mem>>)
        %dma_wait3A = arith.constant 0 : i32
        %dma_wait3A_134 = tpu.memref_slice %arg3[%add3A_124, %run_scoped3A, %dma_wait3A] : memref<1250x1x128xi32, #tpu.memory_space<hbm>> -> memref<1x1x128xi32, #tpu.memory_space<hbm>>
        %dma_wait3A_135 = tpu.memref_squeeze %dma_wait3A_134 : memref<1x1x128xi32, #tpu.memory_space<hbm>> -> memref<128xi32, #tpu.memory_space<hbm>>
        %dma_wait3A_136 = arith.constant 0 : i32
        %dma_wait3A_137 = tpu.memref_slice %arg3[%add3A_124, %run_scoped3A, %dma_wait3A_136] : memref<1250x1x128xi32, #tpu.memory_space<hbm>> -> memref<1x1x128xi32, #tpu.memory_space<hbm>>
        %dma_wait3A_138 = tpu.memref_squeeze %dma_wait3A_137 : memref<1x1x128xi32, #tpu.memory_space<hbm>> -> memref<128xi32, #tpu.memory_space<hbm>>
        tpu.wait_dma2 semaphore(%run_scoped3A_127 : memref<!tpu.dma_semaphore, #tpu.memory_space<semaphore_mem>>) src(%dma_wait3A_138 : memref<128xi32, #tpu.memory_space<hbm>>) dst(%arg6 : memref<128xi32, #tpu.memory_space<vmem>>)
        tpu.yield
      }) : () -> ()
      %mul3A_125 = arith.constant 128 : i32
      %mul3A_126 = arith.muli %add3A_124, %mul3A_125 : i32
      "tpu.region"() ({
        %run_scoped3A_127 = tpu.sem_alloc : memref<!tpu.dma_semaphore, #tpu.memory_space<semaphore_mem>>
        %dma_start3A_128 = arith.constant 0 : i32
        %dma_start3A_129 = tpu.memref_slice %arg2[%add3A_23, %mul3A_126, %dma_start3A_128] : memref<4x160000x128xf32, #tpu.memory_space<hbm>> -> memref<1x128x128xf32, #tpu.memory_space<hbm>>
        %dma_start3A_130 = tpu.memref_squeeze %dma_start3A_129 : memref<1x128x128xf32, #tpu.memory_space<hbm>> -> memref<128x128xf32, #tpu.memory_space<hbm>>
        %dma_start3A_131 = arith.constant 0 : i32
        %dma_start3A_132 = tpu.memref_slice %arg2[%add3A_23, %mul3A_126, %dma_start3A_131] : memref<4x160000x128xf32, #tpu.memory_space<hbm>> -> memref<1x128x128xf32, #tpu.memory_space<hbm>>
        %dma_start3A_133 = tpu.memref_squeeze %dma_start3A_132 : memref<1x128x128xf32, #tpu.memory_space<hbm>> -> memref<128x128xf32, #tpu.memory_space<hbm>>
        tpu.enqueue_dma source(%dma_start3A_133 : memref<128x128xf32, #tpu.memory_space<hbm>>) target(%arg8 : memref<128x128xf32, #tpu.memory_space<vmem>>) target_semaphore(%run_scoped3A_127 : memref<!tpu.dma_semaphore, #tpu.memory_space<semaphore_mem>>)
        %dma_wait3A = arith.constant 0 : i32
        %dma_wait3A_134 = tpu.memref_slice %arg2[%add3A_23, %mul3A_126, %dma_wait3A] : memref<4x160000x128xf32, #tpu.memory_space<hbm>> -> memref<1x128x128xf32, #tpu.memory_space<hbm>>
        %dma_wait3A_135 = tpu.memref_squeeze %dma_wait3A_134 : memref<1x128x128xf32, #tpu.memory_space<hbm>> -> memref<128x128xf32, #tpu.memory_space<hbm>>
        %dma_wait3A_136 = arith.constant 0 : i32
        %dma_wait3A_137 = tpu.memref_slice %arg2[%add3A_23, %mul3A_126, %dma_wait3A_136] : memref<4x160000x128xf32, #tpu.memory_space<hbm>> -> memref<1x128x128xf32, #tpu.memory_space<hbm>>
        %dma_wait3A_138 = tpu.memref_squeeze %dma_wait3A_137 : memref<1x128x128xf32, #tpu.memory_space<hbm>> -> memref<128x128xf32, #tpu.memory_space<hbm>>
        tpu.wait_dma2 semaphore(%run_scoped3A_127 : memref<!tpu.dma_semaphore, #tpu.memory_space<semaphore_mem>>) src(%dma_wait3A_138 : memref<128x128xf32, #tpu.memory_space<hbm>>) dst(%arg8 : memref<128x128xf32, #tpu.memory_space<vmem>>)
        tpu.yield
      }) : () -> ()
      "tpu.region"() ({
        %run_scoped3A_127 = tpu.sem_alloc : memref<!tpu.dma_semaphore, #tpu.memory_space<semaphore_mem>>
        %dma_start3A_128 = arith.constant 0 : i32
        %dma_start3A_129 = arith.constant 0 : i32
        %dma_start3A_130 = tpu.memref_slice %arg11[%dma_start3A_128, %dma_start3A_129] : memref<10000x128xf32, #tpu.memory_space<vmem_shared>> -> memref<10000x128xf32, #tpu.memory_space<vmem_shared>>
        tpu.enqueue_indirect_dma source(%arg8 : memref<128x128xf32, #tpu.memory_space<vmem>>) target(%dma_start3A_130 : memref<10000x128xf32, #tpu.memory_space<vmem_shared>>) offsets(%arg6 : memref<128xi32, #tpu.memory_space<vmem>>) semaphore(%run_scoped3A_127 : memref<!tpu.dma_semaphore, #tpu.memory_space<semaphore_mem>>) {add = true}
        %dma_wait3A = arith.constant 0 : i32
        %dma_wait3A_131 = arith.constant 0 : i32
        %dma_wait3A_132 = tpu.memref_slice %arg11[%dma_wait3A, %dma_wait3A_131] : memref<10000x128xf32, #tpu.memory_space<vmem_shared>> -> memref<10000x128xf32, #tpu.memory_space<vmem_shared>>
        tpu.wait_indirect_dma semaphore(%run_scoped3A_127 : memref<!tpu.dma_semaphore, #tpu.memory_space<semaphore_mem>>) src(%arg8 : memref<128x128xf32, #tpu.memory_space<vmem>>) dst(%dma_wait3A_132 : memref<10000x128xf32, #tpu.memory_space<vmem_shared>>)
        tpu.yield
      }) : () -> ()
    } else {
    }
    %barrier3A_56 = arith.constant 0 : index
    tpu.barrier barrier_id(%barrier3A_56)
    %while3A_57 = arith.constant 0 : i32
    %while3A_58 = arith.constant 0 : i32
    %while3A_59 = arith.subi %select_n3A, %while3A_58 : i32
    %while3A_60 = arith.addi %while3A_58, %while3A_59 : i32
    %while3A_61 = arith.constant 1 : i32
    %while3A_62 = arith.divsi %while3A_59, %while3A_61 : i32
    %while3A_63 = arith.muli %while3A_62, %while3A_61 : i32
    %while3A_64 = arith.addi %while3A_58, %while3A_63 : i32
    %while3A_65 = arith.constant 1 : i32
    scf.for %while3A_123 = %while3A_58 to %while3A_64 step %while3A_65  : i32 {
      %mul3A_124 = arith.constant 16 : i32
      %mul3A_125 = arith.muli %mul3A_124, %while3A_123 : i32
      %add3A_126 = arith.addi %arg1, %mul3A_125 : i32
      %mul3A_127 = arith.constant 80 : i32
      %mul3A_128 = arith.muli %add3A_126, %mul3A_127 : i32
      %mul3A_129 = arith.constant 80 : i32
      %mul3A_130 = arith.muli %add3A_126, %mul3A_129 : i32
      "tpu.region"() ({
        %run_scoped3A = tpu.sem_alloc : memref<!tpu.dma_semaphore, #tpu.memory_space<semaphore_mem>>
        %dma_start3A_131 = arith.constant 0 : i32
        %dma_start3A_132 = tpu.memref_slice %arg5[%add3A_23, %mul3A_130, %dma_start3A_131] : memref<4x10000x128xf32, #tpu.memory_space<hbm>> -> memref<1x80x128xf32, #tpu.memory_space<hbm>>
        %dma_start3A_133 = tpu.memref_squeeze %dma_start3A_132 : memref<1x80x128xf32, #tpu.memory_space<hbm>> -> memref<80x128xf32, #tpu.memory_space<hbm>>
        %dma_start3A_134 = arith.constant 0 : i32
        %dma_start3A_135 = tpu.memref_slice %arg11[%mul3A_128, %dma_start3A_134] : memref<10000x128xf32, #tpu.memory_space<vmem_shared>> -> memref<80x128xf32, #tpu.memory_space<vmem_shared>>
        tpu.enqueue_dma source(%dma_start3A_135 : memref<80x128xf32, #tpu.memory_space<vmem_shared>>) target(%dma_start3A_133 : memref<80x128xf32, #tpu.memory_space<hbm>>) target_semaphore(%run_scoped3A : memref<!tpu.dma_semaphore, #tpu.memory_space<semaphore_mem>>)
        %dma_wait3A = arith.constant 0 : i32
        %dma_wait3A_136 = tpu.memref_slice %arg5[%add3A_23, %mul3A_130, %dma_wait3A] : memref<4x10000x128xf32, #tpu.memory_space<hbm>> -> memref<1x80x128xf32, #tpu.memory_space<hbm>>
        %dma_wait3A_137 = tpu.memref_squeeze %dma_wait3A_136 : memref<1x80x128xf32, #tpu.memory_space<hbm>> -> memref<80x128xf32, #tpu.memory_space<hbm>>
        %dma_wait3A_138 = arith.constant 0 : i32
        %dma_wait3A_139 = tpu.memref_slice %arg11[%mul3A_128, %dma_wait3A_138] : memref<10000x128xf32, #tpu.memory_space<vmem_shared>> -> memref<80x128xf32, #tpu.memory_space<vmem_shared>>
        tpu.wait_dma2 semaphore(%run_scoped3A : memref<!tpu.dma_semaphore, #tpu.memory_space<semaphore_mem>>) src(%dma_wait3A_139 : memref<80x128xf32, #tpu.memory_space<vmem_shared>>) dst(%dma_wait3A_137 : memref<80x128xf32, #tpu.memory_space<hbm>>)
        tpu.yield
      }) : () -> ()
    }
    %while3A_66 = arith.constant 1 : i32
    scf.for %while3A_123 = %while3A_64 to %while3A_60 step %while3A_66  : i32 {
      %mul3A_124 = arith.constant 16 : i32
      %mul3A_125 = arith.muli %mul3A_124, %while3A_123 : i32
      %add3A_126 = arith.addi %arg1, %mul3A_125 : i32
      %mul3A_127 = arith.constant 80 : i32
      %mul3A_128 = arith.muli %add3A_126, %mul3A_127 : i32
      %mul3A_129 = arith.constant 80 : i32
      %mul3A_130 = arith.muli %add3A_126, %mul3A_129 : i32
      "tpu.region"() ({
        %run_scoped3A = tpu.sem_alloc : memref<!tpu.dma_semaphore, #tpu.memory_space<semaphore_mem>>
        %dma_start3A_131 = arith.constant 0 : i32
        %dma_start3A_132 = tpu.memref_slice %arg5[%add3A_23, %mul3A_130, %dma_start3A_131] : memref<4x10000x128xf32, #tpu.memory_space<hbm>> -> memref<1x80x128xf32, #tpu.memory_space<hbm>>
        %dma_start3A_133 = tpu.memref_squeeze %dma_start3A_132 : memref<1x80x128xf32, #tpu.memory_space<hbm>> -> memref<80x128xf32, #tpu.memory_space<hbm>>
        %dma_start3A_134 = arith.constant 0 : i32
        %dma_start3A_135 = tpu.memref_slice %arg11[%mul3A_128, %dma_start3A_134] : memref<10000x128xf32, #tpu.memory_space<vmem_shared>> -> memref<80x128xf32, #tpu.memory_space<vmem_shared>>
        tpu.enqueue_dma source(%dma_start3A_135 : memref<80x128xf32, #tpu.memory_space<vmem_shared>>) target(%dma_start3A_133 : memref<80x128xf32, #tpu.memory_space<hbm>>) target_semaphore(%run_scoped3A : memref<!tpu.dma_semaphore, #tpu.memory_space<semaphore_mem>>)
        %dma_wait3A = arith.constant 0 : i32
        %dma_wait3A_136 = tpu.memref_slice %arg5[%add3A_23, %mul3A_130, %dma_wait3A] : memref<4x10000x128xf32, #tpu.memory_space<hbm>> -> memref<1x80x128xf32, #tpu.memory_space<hbm>>
        %dma_wait3A_137 = tpu.memref_squeeze %dma_wait3A_136 : memref<1x80x128xf32, #tpu.memory_space<hbm>> -> memref<80x128xf32, #tpu.memory_space<hbm>>
        %dma_wait3A_138 = arith.constant 0 : i32
        %dma_wait3A_139 = tpu.memref_slice %arg11[%mul3A_128, %dma_wait3A_138] : memref<10000x128xf32, #tpu.memory_space<vmem_shared>> -> memref<80x128xf32, #tpu.memory_space<vmem_shared>>
        tpu.wait_dma2 semaphore(%run_scoped3A : memref<!tpu.dma_semaphore, #tpu.memory_space<semaphore_mem>>) src(%dma_wait3A_139 : memref<80x128xf32, #tpu.memory_space<vmem_shared>>) dst(%dma_wait3A_137 : memref<80x128xf32, #tpu.memory_space<hbm>>)
        tpu.yield
      }) : () -> ()
    }
    %barrier3A_67 = arith.constant 0 : index
    tpu.barrier barrier_id(%barrier3A_67)
    %mul3A_68 = arith.constant 2 : i32
    %mul3A_69 = arith.muli %arg0, %mul3A_68 : i32
    %add3A_70 = arith.constant 1 : i32
    %add3A_71 = arith.addi %mul3A_69, %add3A_70 : i32
    "tpu.region"() ({
      %run_scoped3A = tpu.sem_alloc : memref<!tpu.dma_semaphore, #tpu.memory_space<semaphore_mem>>
      tpu.enqueue_dma source(%arg4 : memref<80x128xf32, #tpu.memory_space<hbm>>) target(%arg10 : memref<80x128xf32, #tpu.memory_space<vmem>>) target_semaphore(%run_scoped3A : memref<!tpu.dma_semaphore, #tpu.memory_space<semaphore_mem>>)
      tpu.wait_dma2 semaphore(%run_scoped3A : memref<!tpu.dma_semaphore, #tpu.memory_space<semaphore_mem>>) src(%arg4 : memref<80x128xf32, #tpu.memory_space<hbm>>) dst(%arg10 : memref<80x128xf32, #tpu.memory_space<vmem>>)
      tpu.yield
    }) : () -> ()
    %while3A_72 = arith.constant 0 : i32
    %while3A_73 = arith.constant 0 : i32
    %while3A_74 = arith.subi %select_n3A, %while3A_73 : i32
    %while3A_75 = arith.addi %while3A_73, %while3A_74 : i32
    %while3A_76 = arith.constant 1 : i32
    %while3A_77 = arith.divsi %while3A_74, %while3A_76 : i32
    %while3A_78 = arith.muli %while3A_77, %while3A_76 : i32
    %while3A_79 = arith.addi %while3A_73, %while3A_78 : i32
    %while3A_80 = arith.constant 1 : i32
    scf.for %while3A_123 = %while3A_73 to %while3A_79 step %while3A_80  : i32 {
      %mul3A_124 = arith.constant 16 : i32
      %mul3A_125 = arith.muli %mul3A_124, %while3A_123 : i32
      %add3A_126 = arith.addi %arg1, %mul3A_125 : i32
      %mul3A_127 = arith.constant 80 : i32
      %mul3A_128 = arith.muli %add3A_126, %mul3A_127 : i32
      "tpu.region"() ({
        %run_scoped3A = tpu.sem_alloc : memref<!tpu.dma_semaphore, #tpu.memory_space<semaphore_mem>>
        %dma_start3A_129 = arith.constant 0 : i32
        %dma_start3A_130 = tpu.memref_slice %arg11[%mul3A_128, %dma_start3A_129] : memref<10000x128xf32, #tpu.memory_space<vmem_shared>> -> memref<80x128xf32, #tpu.memory_space<vmem_shared>>
        %dma_start3A_131 = arith.constant 0 : i32
        %dma_start3A_132 = tpu.memref_slice %arg11[%mul3A_128, %dma_start3A_131] : memref<10000x128xf32, #tpu.memory_space<vmem_shared>> -> memref<80x128xf32, #tpu.memory_space<vmem_shared>>
        tpu.enqueue_dma source(%arg10 : memref<80x128xf32, #tpu.memory_space<vmem>>) target(%dma_start3A_132 : memref<80x128xf32, #tpu.memory_space<vmem_shared>>) target_semaphore(%run_scoped3A : memref<!tpu.dma_semaphore, #tpu.memory_space<semaphore_mem>>)
        %dma_wait3A = arith.constant 0 : i32
        %dma_wait3A_133 = tpu.memref_slice %arg11[%mul3A_128, %dma_wait3A] : memref<10000x128xf32, #tpu.memory_space<vmem_shared>> -> memref<80x128xf32, #tpu.memory_space<vmem_shared>>
        %dma_wait3A_134 = arith.constant 0 : i32
        %dma_wait3A_135 = tpu.memref_slice %arg11[%mul3A_128, %dma_wait3A_134] : memref<10000x128xf32, #tpu.memory_space<vmem_shared>> -> memref<80x128xf32, #tpu.memory_space<vmem_shared>>
        tpu.wait_dma2 semaphore(%run_scoped3A : memref<!tpu.dma_semaphore, #tpu.memory_space<semaphore_mem>>) src(%arg10 : memref<80x128xf32, #tpu.memory_space<vmem>>) dst(%dma_wait3A_135 : memref<80x128xf32, #tpu.memory_space<vmem_shared>>)
        tpu.yield
      }) : () -> ()
    }
    %while3A_81 = arith.constant 1 : i32
    scf.for %while3A_123 = %while3A_79 to %while3A_75 step %while3A_81  : i32 {
      %mul3A_124 = arith.constant 16 : i32
      %mul3A_125 = arith.muli %mul3A_124, %while3A_123 : i32
      %add3A_126 = arith.addi %arg1, %mul3A_125 : i32
      %mul3A_127 = arith.constant 80 : i32
      %mul3A_128 = arith.muli %add3A_126, %mul3A_127 : i32
      "tpu.region"() ({
        %run_scoped3A = tpu.sem_alloc : memref<!tpu.dma_semaphore, #tpu.memory_space<semaphore_mem>>
        %dma_start3A_129 = arith.constant 0 : i32
        %dma_start3A_130 = tpu.memref_slice %arg11[%mul3A_128, %dma_start3A_129] : memref<10000x128xf32, #tpu.memory_space<vmem_shared>> -> memref<80x128xf32, #tpu.memory_space<vmem_shared>>
        %dma_start3A_131 = arith.constant 0 : i32
        %dma_start3A_132 = tpu.memref_slice %arg11[%mul3A_128, %dma_start3A_131] : memref<10000x128xf32, #tpu.memory_space<vmem_shared>> -> memref<80x128xf32, #tpu.memory_space<vmem_shared>>
        tpu.enqueue_dma source(%arg10 : memref<80x128xf32, #tpu.memory_space<vmem>>) target(%dma_start3A_132 : memref<80x128xf32, #tpu.memory_space<vmem_shared>>) target_semaphore(%run_scoped3A : memref<!tpu.dma_semaphore, #tpu.memory_space<semaphore_mem>>)
        %dma_wait3A = arith.constant 0 : i32
        %dma_wait3A_133 = tpu.memref_slice %arg11[%mul3A_128, %dma_wait3A] : memref<10000x128xf32, #tpu.memory_space<vmem_shared>> -> memref<80x128xf32, #tpu.memory_space<vmem_shared>>
        %dma_wait3A_134 = arith.constant 0 : i32
        %dma_wait3A_135 = tpu.memref_slice %arg11[%mul3A_128, %dma_wait3A_134] : memref<10000x128xf32, #tpu.memory_space<vmem_shared>> -> memref<80x128xf32, #tpu.memory_space<vmem_shared>>
        tpu.wait_dma2 semaphore(%run_scoped3A : memref<!tpu.dma_semaphore, #tpu.memory_space<semaphore_mem>>) src(%arg10 : memref<80x128xf32, #tpu.memory_space<vmem>>) dst(%dma_wait3A_135 : memref<80x128xf32, #tpu.memory_space<vmem_shared>>)
        tpu.yield
      }) : () -> ()
    }
    %barrier3A_82 = arith.constant 0 : index
    tpu.barrier barrier_id(%barrier3A_82)
    %add3A_83 = arith.constant 0 : i32
    %add3A_84 = arith.addi %arg1, %add3A_83 : i32
    %dma_start3A_85 = arith.constant 0 : i32
    %dma_start3A_86 = arith.constant 0 : i32
    %dma_start3A_87 = tpu.memref_slice %arg3[%add3A_84, %dma_start3A_85, %dma_start3A_86] : memref<1250x1x128xi32, #tpu.memory_space<hbm>> -> memref<1x1x128xi32, #tpu.memory_space<hbm>>
    %dma_start3A_88 = tpu.memref_squeeze %dma_start3A_87 : memref<1x1x128xi32, #tpu.memory_space<hbm>> -> memref<128xi32, #tpu.memory_space<hbm>>
    %dma_start3A_89 = arith.constant 0 : i32
    %dma_start3A_90 = tpu.memref_slice %arg3[%add3A_84, %dma_start3A_85, %dma_start3A_89] : memref<1250x1x128xi32, #tpu.memory_space<hbm>> -> memref<1x1x128xi32, #tpu.memory_space<hbm>>
    %dma_start3A_91 = tpu.memref_squeeze %dma_start3A_90 : memref<1x1x128xi32, #tpu.memory_space<hbm>> -> memref<128xi32, #tpu.memory_space<hbm>>
    tpu.enqueue_dma source(%dma_start3A_91 : memref<128xi32, #tpu.memory_space<hbm>>) target(%arg6 : memref<128xi32, #tpu.memory_space<vmem>>) target_semaphore(%arg12 : memref<!tpu.dma_semaphore, #tpu.memory_space<semaphore_mem>>)
    %mul3A_92 = arith.constant 128 : i32
    %mul3A_93 = arith.muli %add3A_84, %mul3A_92 : i32
    %dma_start3A_94 = arith.constant 0 : i32
    %dma_start3A_95 = tpu.memref_slice %arg2[%add3A_71, %mul3A_93, %dma_start3A_94] : memref<4x160000x128xf32, #tpu.memory_space<hbm>> -> memref<1x128x128xf32, #tpu.memory_space<hbm>>
    %dma_start3A_96 = tpu.memref_squeeze %dma_start3A_95 : memref<1x128x128xf32, #tpu.memory_space<hbm>> -> memref<128x128xf32, #tpu.memory_space<hbm>>
    %dma_start3A_97 = arith.constant 0 : i32
    %dma_start3A_98 = tpu.memref_slice %arg2[%add3A_71, %mul3A_93, %dma_start3A_97] : memref<4x160000x128xf32, #tpu.memory_space<hbm>> -> memref<1x128x128xf32, #tpu.memory_space<hbm>>
    %dma_start3A_99 = tpu.memref_squeeze %dma_start3A_98 : memref<1x128x128xf32, #tpu.memory_space<hbm>> -> memref<128x128xf32, #tpu.memory_space<hbm>>
    tpu.enqueue_dma source(%dma_start3A_99 : memref<128x128xf32, #tpu.memory_space<hbm>>) target(%arg8 : memref<128x128xf32, #tpu.memory_space<vmem>>) target_semaphore(%arg12 : memref<!tpu.dma_semaphore, #tpu.memory_space<semaphore_mem>>)
    %scan3A_100 = arith.constant 0 : i32
    %scan3A_101 = arith.constant 0 : i32
    %scan3A_102 = arith.constant 39 : i32
    %scan3A_103 = arith.addi %scan3A_101, %scan3A_102 : i32
    %scan3A_104 = arith.constant 1 : i32
    scf.for %scan3A_123 = %scan3A_101 to %scan3A_103 step %scan3A_104  : i32 {
      %mul3A_124 = arith.constant 2 : i32
      %mul3A_125 = arith.muli %mul3A_124, %scan3A_123 : i32
      %add3A_126 = arith.constant 1 : i32
      %add3A_127 = arith.addi %mul3A_125, %add3A_126 : i32
      %mul3A_128 = arith.constant 16 : i32
      %mul3A_129 = arith.muli %mul3A_128, %add3A_127 : i32
      %add3A_130 = arith.addi %arg1, %mul3A_129 : i32
      %dma_start3A_131 = arith.constant 0 : i32
      %dma_start3A_132 = arith.constant 0 : i32
      %dma_start3A_133 = tpu.memref_slice %arg3[%add3A_130, %dma_start3A_131, %dma_start3A_132] : memref<1250x1x128xi32, #tpu.memory_space<hbm>> -> memref<1x1x128xi32, #tpu.memory_space<hbm>>
      %dma_start3A_134 = tpu.memref_squeeze %dma_start3A_133 : memref<1x1x128xi32, #tpu.memory_space<hbm>> -> memref<128xi32, #tpu.memory_space<hbm>>
      %dma_start3A_135 = arith.constant 0 : i32
      %dma_start3A_136 = tpu.memref_slice %arg3[%add3A_130, %dma_start3A_131, %dma_start3A_135] : memref<1250x1x128xi32, #tpu.memory_space<hbm>> -> memref<1x1x128xi32, #tpu.memory_space<hbm>>
      %dma_start3A_137 = tpu.memref_squeeze %dma_start3A_136 : memref<1x1x128xi32, #tpu.memory_space<hbm>> -> memref<128xi32, #tpu.memory_space<hbm>>
      tpu.enqueue_dma source(%dma_start3A_137 : memref<128xi32, #tpu.memory_space<hbm>>) target(%arg7 : memref<128xi32, #tpu.memory_space<vmem>>) target_semaphore(%arg13 : memref<!tpu.dma_semaphore, #tpu.memory_space<semaphore_mem>>)
      %mul3A_138 = arith.constant 128 : i32
      %mul3A_139 = arith.muli %add3A_130, %mul3A_138 : i32
      %dma_start3A_140 = arith.constant 0 : i32
      %dma_start3A_141 = tpu.memref_slice %arg2[%add3A_71, %mul3A_139, %dma_start3A_140] : memref<4x160000x128xf32, #tpu.memory_space<hbm>> -> memref<1x128x128xf32, #tpu.memory_space<hbm>>
      %dma_start3A_142 = tpu.memref_squeeze %dma_start3A_141 : memref<1x128x128xf32, #tpu.memory_space<hbm>> -> memref<128x128xf32, #tpu.memory_space<hbm>>
      %dma_start3A_143 = arith.constant 0 : i32
      %dma_start3A_144 = tpu.memref_slice %arg2[%add3A_71, %mul3A_139, %dma_start3A_143] : memref<4x160000x128xf32, #tpu.memory_space<hbm>> -> memref<1x128x128xf32, #tpu.memory_space<hbm>>
      %dma_start3A_145 = tpu.memref_squeeze %dma_start3A_144 : memref<1x128x128xf32, #tpu.memory_space<hbm>> -> memref<128x128xf32, #tpu.memory_space<hbm>>
      tpu.enqueue_dma source(%dma_start3A_145 : memref<128x128xf32, #tpu.memory_space<hbm>>) target(%arg9 : memref<128x128xf32, #tpu.memory_space<vmem>>) target_semaphore(%arg13 : memref<!tpu.dma_semaphore, #tpu.memory_space<semaphore_mem>>)
      %mul3A_146 = arith.constant 16 : i32
      %mul3A_147 = arith.muli %mul3A_146, %mul3A_125 : i32
      %add3A_148 = arith.addi %arg1, %mul3A_147 : i32
      %dma_wait3A = arith.constant 0 : i32
      %dma_wait3A_149 = arith.constant 0 : i32
      %dma_wait3A_150 = tpu.memref_slice %arg3[%add3A_148, %dma_wait3A, %dma_wait3A_149] : memref<1250x1x128xi32, #tpu.memory_space<hbm>> -> memref<1x1x128xi32, #tpu.memory_space<hbm>>
      %dma_wait3A_151 = tpu.memref_squeeze %dma_wait3A_150 : memref<1x1x128xi32, #tpu.memory_space<hbm>> -> memref<128xi32, #tpu.memory_space<hbm>>
      %dma_wait3A_152 = arith.constant 0 : i32
      %dma_wait3A_153 = tpu.memref_slice %arg3[%add3A_148, %dma_wait3A, %dma_wait3A_152] : memref<1250x1x128xi32, #tpu.memory_space<hbm>> -> memref<1x1x128xi32, #tpu.memory_space<hbm>>
      %dma_wait3A_154 = tpu.memref_squeeze %dma_wait3A_153 : memref<1x1x128xi32, #tpu.memory_space<hbm>> -> memref<128xi32, #tpu.memory_space<hbm>>
      tpu.wait_dma2 semaphore(%arg12 : memref<!tpu.dma_semaphore, #tpu.memory_space<semaphore_mem>>) src(%dma_wait3A_154 : memref<128xi32, #tpu.memory_space<hbm>>) dst(%arg6 : memref<128xi32, #tpu.memory_space<vmem>>)
      %mul3A_155 = arith.constant 128 : i32
      %mul3A_156 = arith.muli %add3A_148, %mul3A_155 : i32
      %dma_wait3A_157 = arith.constant 0 : i32
      %dma_wait3A_158 = tpu.memref_slice %arg2[%add3A_71, %mul3A_156, %dma_wait3A_157] : memref<4x160000x128xf32, #tpu.memory_space<hbm>> -> memref<1x128x128xf32, #tpu.memory_space<hbm>>
      %dma_wait3A_159 = tpu.memref_squeeze %dma_wait3A_158 : memref<1x128x128xf32, #tpu.memory_space<hbm>> -> memref<128x128xf32, #tpu.memory_space<hbm>>
      %dma_wait3A_160 = arith.constant 0 : i32
      %dma_wait3A_161 = tpu.memref_slice %arg2[%add3A_71, %mul3A_156, %dma_wait3A_160] : memref<4x160000x128xf32, #tpu.memory_space<hbm>> -> memref<1x128x128xf32, #tpu.memory_space<hbm>>
      %dma_wait3A_162 = tpu.memref_squeeze %dma_wait3A_161 : memref<1x128x128xf32, #tpu.memory_space<hbm>> -> memref<128x128xf32, #tpu.memory_space<hbm>>
      tpu.wait_dma2 semaphore(%arg12 : memref<!tpu.dma_semaphore, #tpu.memory_space<semaphore_mem>>) src(%dma_wait3A_162 : memref<128x128xf32, #tpu.memory_space<hbm>>) dst(%arg8 : memref<128x128xf32, #tpu.memory_space<vmem>>)
      "tpu.region"() ({
        %run_scoped3A = tpu.sem_alloc : memref<!tpu.dma_semaphore, #tpu.memory_space<semaphore_mem>>
        %dma_start3A_190 = arith.constant 0 : i32
        %dma_start3A_191 = arith.constant 0 : i32
        %dma_start3A_192 = tpu.memref_slice %arg11[%dma_start3A_190, %dma_start3A_191] : memref<10000x128xf32, #tpu.memory_space<vmem_shared>> -> memref<10000x128xf32, #tpu.memory_space<vmem_shared>>
        tpu.enqueue_indirect_dma source(%arg8 : memref<128x128xf32, #tpu.memory_space<vmem>>) target(%dma_start3A_192 : memref<10000x128xf32, #tpu.memory_space<vmem_shared>>) offsets(%arg6 : memref<128xi32, #tpu.memory_space<vmem>>) semaphore(%run_scoped3A : memref<!tpu.dma_semaphore, #tpu.memory_space<semaphore_mem>>) {add = true}
        %dma_wait3A_193 = arith.constant 0 : i32
        %dma_wait3A_194 = arith.constant 0 : i32
        %dma_wait3A_195 = tpu.memref_slice %arg11[%dma_wait3A_193, %dma_wait3A_194] : memref<10000x128xf32, #tpu.memory_space<vmem_shared>> -> memref<10000x128xf32, #tpu.memory_space<vmem_shared>>
        tpu.wait_indirect_dma semaphore(%run_scoped3A : memref<!tpu.dma_semaphore, #tpu.memory_space<semaphore_mem>>) src(%arg8 : memref<128x128xf32, #tpu.memory_space<vmem>>) dst(%dma_wait3A_195 : memref<10000x128xf32, #tpu.memory_space<vmem_shared>>)
        tpu.yield
      }) : () -> ()
      %add3A_163 = arith.constant 1 : i32
      %add3A_164 = arith.addi %scan3A_123, %add3A_163 : i32
      %lt3A_165 = arith.constant 39 : i32
      %lt3A_166 = arith.cmpi slt, %add3A_164, %lt3A_165 : i32
      %convert_element_type3A_167 = arith.extui %lt3A_166 : i1 to i32
      %cond3A_168 = arith.constant 0 : i32
      %cond3A_169 = arith.cmpi ne, %convert_element_type3A_167, %cond3A_168 : i32
      scf.if %cond3A_169 {
        %add3A_190 = arith.constant 2 : i32
        %add3A_191 = arith.addi %mul3A_125, %add3A_190 : i32
        %mul3A_192 = arith.constant 16 : i32
        %mul3A_193 = arith.muli %mul3A_192, %add3A_191 : i32
        %add3A_194 = arith.addi %arg1, %mul3A_193 : i32
        %dma_start3A_195 = arith.constant 0 : i32
        %dma_start3A_196 = arith.constant 0 : i32
        %dma_start3A_197 = tpu.memref_slice %arg3[%add3A_194, %dma_start3A_195, %dma_start3A_196] : memref<1250x1x128xi32, #tpu.memory_space<hbm>> -> memref<1x1x128xi32, #tpu.memory_space<hbm>>
        %dma_start3A_198 = tpu.memref_squeeze %dma_start3A_197 : memref<1x1x128xi32, #tpu.memory_space<hbm>> -> memref<128xi32, #tpu.memory_space<hbm>>
        %dma_start3A_199 = arith.constant 0 : i32
        %dma_start3A_200 = tpu.memref_slice %arg3[%add3A_194, %dma_start3A_195, %dma_start3A_199] : memref<1250x1x128xi32, #tpu.memory_space<hbm>> -> memref<1x1x128xi32, #tpu.memory_space<hbm>>
        %dma_start3A_201 = tpu.memref_squeeze %dma_start3A_200 : memref<1x1x128xi32, #tpu.memory_space<hbm>> -> memref<128xi32, #tpu.memory_space<hbm>>
        tpu.enqueue_dma source(%dma_start3A_201 : memref<128xi32, #tpu.memory_space<hbm>>) target(%arg6 : memref<128xi32, #tpu.memory_space<vmem>>) target_semaphore(%arg12 : memref<!tpu.dma_semaphore, #tpu.memory_space<semaphore_mem>>)
        %mul3A_202 = arith.constant 128 : i32
        %mul3A_203 = arith.muli %add3A_194, %mul3A_202 : i32
        %dma_start3A_204 = arith.constant 0 : i32
        %dma_start3A_205 = tpu.memref_slice %arg2[%add3A_71, %mul3A_203, %dma_start3A_204] : memref<4x160000x128xf32, #tpu.memory_space<hbm>> -> memref<1x128x128xf32, #tpu.memory_space<hbm>>
        %dma_start3A_206 = tpu.memref_squeeze %dma_start3A_205 : memref<1x128x128xf32, #tpu.memory_space<hbm>> -> memref<128x128xf32, #tpu.memory_space<hbm>>
        %dma_start3A_207 = arith.constant 0 : i32
        %dma_start3A_208 = tpu.memref_slice %arg2[%add3A_71, %mul3A_203, %dma_start3A_207] : memref<4x160000x128xf32, #tpu.memory_space<hbm>> -> memref<1x128x128xf32, #tpu.memory_space<hbm>>
        %dma_start3A_209 = tpu.memref_squeeze %dma_start3A_208 : memref<1x128x128xf32, #tpu.memory_space<hbm>> -> memref<128x128xf32, #tpu.memory_space<hbm>>
        tpu.enqueue_dma source(%dma_start3A_209 : memref<128x128xf32, #tpu.memory_space<hbm>>) target(%arg8 : memref<128x128xf32, #tpu.memory_space<vmem>>) target_semaphore(%arg12 : memref<!tpu.dma_semaphore, #tpu.memory_space<semaphore_mem>>)
      } else {
      }
      %add3A_170 = arith.constant 1 : i32
      %add3A_171 = arith.addi %mul3A_125, %add3A_170 : i32
      %mul3A_172 = arith.constant 16 : i32
      %mul3A_173 = arith.muli %mul3A_172, %add3A_171 : i32
      %add3A_174 = arith.addi %arg1, %mul3A_173 : i32
      %dma_wait3A_175 = arith.constant 0 : i32
      %dma_wait3A_176 = arith.constant 0 : i32
      %dma_wait3A_177 = tpu.memref_slice %arg3[%add3A_174, %dma_wait3A_175, %dma_wait3A_176] : memref<1250x1x128xi32, #tpu.memory_space<hbm>> -> memref<1x1x128xi32, #tpu.memory_space<hbm>>
      %dma_wait3A_178 = tpu.memref_squeeze %dma_wait3A_177 : memref<1x1x128xi32, #tpu.memory_space<hbm>> -> memref<128xi32, #tpu.memory_space<hbm>>
      %dma_wait3A_179 = arith.constant 0 : i32
      %dma_wait3A_180 = tpu.memref_slice %arg3[%add3A_174, %dma_wait3A_175, %dma_wait3A_179] : memref<1250x1x128xi32, #tpu.memory_space<hbm>> -> memref<1x1x128xi32, #tpu.memory_space<hbm>>
      %dma_wait3A_181 = tpu.memref_squeeze %dma_wait3A_180 : memref<1x1x128xi32, #tpu.memory_space<hbm>> -> memref<128xi32, #tpu.memory_space<hbm>>
      tpu.wait_dma2 semaphore(%arg13 : memref<!tpu.dma_semaphore, #tpu.memory_space<semaphore_mem>>) src(%dma_wait3A_181 : memref<128xi32, #tpu.memory_space<hbm>>) dst(%arg7 : memref<128xi32, #tpu.memory_space<vmem>>)
      %mul3A_182 = arith.constant 128 : i32
      %mul3A_183 = arith.muli %add3A_174, %mul3A_182 : i32
      %dma_wait3A_184 = arith.constant 0 : i32
      %dma_wait3A_185 = tpu.memref_slice %arg2[%add3A_71, %mul3A_183, %dma_wait3A_184] : memref<4x160000x128xf32, #tpu.memory_space<hbm>> -> memref<1x128x128xf32, #tpu.memory_space<hbm>>
      %dma_wait3A_186 = tpu.memref_squeeze %dma_wait3A_185 : memref<1x128x128xf32, #tpu.memory_space<hbm>> -> memref<128x128xf32, #tpu.memory_space<hbm>>
      %dma_wait3A_187 = arith.constant 0 : i32
      %dma_wait3A_188 = tpu.memref_slice %arg2[%add3A_71, %mul3A_183, %dma_wait3A_187] : memref<4x160000x128xf32, #tpu.memory_space<hbm>> -> memref<1x128x128xf32, #tpu.memory_space<hbm>>
      %dma_wait3A_189 = tpu.memref_squeeze %dma_wait3A_188 : memref<1x128x128xf32, #tpu.memory_space<hbm>> -> memref<128x128xf32, #tpu.memory_space<hbm>>
      tpu.wait_dma2 semaphore(%arg13 : memref<!tpu.dma_semaphore, #tpu.memory_space<semaphore_mem>>) src(%dma_wait3A_189 : memref<128x128xf32, #tpu.memory_space<hbm>>) dst(%arg9 : memref<128x128xf32, #tpu.memory_space<vmem>>)
      "tpu.region"() ({
        %run_scoped3A = tpu.sem_alloc : memref<!tpu.dma_semaphore, #tpu.memory_space<semaphore_mem>>
        %dma_start3A_190 = arith.constant 0 : i32
        %dma_start3A_191 = arith.constant 0 : i32
        %dma_start3A_192 = tpu.memref_slice %arg11[%dma_start3A_190, %dma_start3A_191] : memref<10000x128xf32, #tpu.memory_space<vmem_shared>> -> memref<10000x128xf32, #tpu.memory_space<vmem_shared>>
        tpu.enqueue_indirect_dma source(%arg9 : memref<128x128xf32, #tpu.memory_space<vmem>>) target(%dma_start3A_192 : memref<10000x128xf32, #tpu.memory_space<vmem_shared>>) offsets(%arg7 : memref<128xi32, #tpu.memory_space<vmem>>) semaphore(%run_scoped3A : memref<!tpu.dma_semaphore, #tpu.memory_space<semaphore_mem>>) {add = true}
        %dma_wait3A_193 = arith.constant 0 : i32
        %dma_wait3A_194 = arith.constant 0 : i32
        %dma_wait3A_195 = tpu.memref_slice %arg11[%dma_wait3A_193, %dma_wait3A_194] : memref<10000x128xf32, #tpu.memory_space<vmem_shared>> -> memref<10000x128xf32, #tpu.memory_space<vmem_shared>>
        tpu.wait_indirect_dma semaphore(%run_scoped3A : memref<!tpu.dma_semaphore, #tpu.memory_space<semaphore_mem>>) src(%arg9 : memref<128x128xf32, #tpu.memory_space<vmem>>) dst(%dma_wait3A_195 : memref<10000x128xf32, #tpu.memory_space<vmem_shared>>)
        tpu.yield
      }) : () -> ()
    }
    %scan3A_105 = arith.constant 39 : i32
    %lt3A_106 = arith.constant 2 : i32
    %lt3A_107 = arith.cmpi slt, %arg1, %lt3A_106 : i32
    %convert_element_type3A_108 = arith.extui %lt3A_107 : i1 to i32
    %cond3A_109 = arith.constant 0 : i32
    %cond3A_110 = arith.cmpi ne, %convert_element_type3A_108, %cond3A_109 : i32
    scf.if %cond3A_110 {
      %add3A_123 = arith.constant 1248 : i32
      %add3A_124 = arith.addi %add3A_123, %arg1 : i32
      %run_scoped3A = arith.constant 0 : i32
      "tpu.region"() ({
        %run_scoped3A_127 = tpu.sem_alloc : memref<!tpu.dma_semaphore, #tpu.memory_space<semaphore_mem>>
        %dma_start3A_128 = arith.constant 0 : i32
        %dma_start3A_129 = tpu.memref_slice %arg3[%add3A_124, %run_scoped3A, %dma_start3A_128] : memref<1250x1x128xi32, #tpu.memory_space<hbm>> -> memref<1x1x128xi32, #tpu.memory_space<hbm>>
        %dma_start3A_130 = tpu.memref_squeeze %dma_start3A_129 : memref<1x1x128xi32, #tpu.memory_space<hbm>> -> memref<128xi32, #tpu.memory_space<hbm>>
        %dma_start3A_131 = arith.constant 0 : i32
        %dma_start3A_132 = tpu.memref_slice %arg3[%add3A_124, %run_scoped3A, %dma_start3A_131] : memref<1250x1x128xi32, #tpu.memory_space<hbm>> -> memref<1x1x128xi32, #tpu.memory_space<hbm>>
        %dma_start3A_133 = tpu.memref_squeeze %dma_start3A_132 : memref<1x1x128xi32, #tpu.memory_space<hbm>> -> memref<128xi32, #tpu.memory_space<hbm>>
        tpu.enqueue_dma source(%dma_start3A_133 : memref<128xi32, #tpu.memory_space<hbm>>) target(%arg6 : memref<128xi32, #tpu.memory_space<vmem>>) target_semaphore(%run_scoped3A_127 : memref<!tpu.dma_semaphore, #tpu.memory_space<semaphore_mem>>)
        %dma_wait3A = arith.constant 0 : i32
        %dma_wait3A_134 = tpu.memref_slice %arg3[%add3A_124, %run_scoped3A, %dma_wait3A] : memref<1250x1x128xi32, #tpu.memory_space<hbm>> -> memref<1x1x128xi32, #tpu.memory_space<hbm>>
        %dma_wait3A_135 = tpu.memref_squeeze %dma_wait3A_134 : memref<1x1x128xi32, #tpu.memory_space<hbm>> -> memref<128xi32, #tpu.memory_space<hbm>>
        %dma_wait3A_136 = arith.constant 0 : i32
        %dma_wait3A_137 = tpu.memref_slice %arg3[%add3A_124, %run_scoped3A, %dma_wait3A_136] : memref<1250x1x128xi32, #tpu.memory_space<hbm>> -> memref<1x1x128xi32, #tpu.memory_space<hbm>>
        %dma_wait3A_138 = tpu.memref_squeeze %dma_wait3A_137 : memref<1x1x128xi32, #tpu.memory_space<hbm>> -> memref<128xi32, #tpu.memory_space<hbm>>
        tpu.wait_dma2 semaphore(%run_scoped3A_127 : memref<!tpu.dma_semaphore, #tpu.memory_space<semaphore_mem>>) src(%dma_wait3A_138 : memref<128xi32, #tpu.memory_space<hbm>>) dst(%arg6 : memref<128xi32, #tpu.memory_space<vmem>>)
        tpu.yield
      }) : () -> ()
      %mul3A_125 = arith.constant 128 : i32
      %mul3A_126 = arith.muli %add3A_124, %mul3A_125 : i32
      "tpu.region"() ({
        %run_scoped3A_127 = tpu.sem_alloc : memref<!tpu.dma_semaphore, #tpu.memory_space<semaphore_mem>>
        %dma_start3A_128 = arith.constant 0 : i32
        %dma_start3A_129 = tpu.memref_slice %arg2[%add3A_71, %mul3A_126, %dma_start3A_128] : memref<4x160000x128xf32, #tpu.memory_space<hbm>> -> memref<1x128x128xf32, #tpu.memory_space<hbm>>
        %dma_start3A_130 = tpu.memref_squeeze %dma_start3A_129 : memref<1x128x128xf32, #tpu.memory_space<hbm>> -> memref<128x128xf32, #tpu.memory_space<hbm>>
        %dma_start3A_131 = arith.constant 0 : i32
        %dma_start3A_132 = tpu.memref_slice %arg2[%add3A_71, %mul3A_126, %dma_start3A_131] : memref<4x160000x128xf32, #tpu.memory_space<hbm>> -> memref<1x128x128xf32, #tpu.memory_space<hbm>>
        %dma_start3A_133 = tpu.memref_squeeze %dma_start3A_132 : memref<1x128x128xf32, #tpu.memory_space<hbm>> -> memref<128x128xf32, #tpu.memory_space<hbm>>
        tpu.enqueue_dma source(%dma_start3A_133 : memref<128x128xf32, #tpu.memory_space<hbm>>) target(%arg8 : memref<128x128xf32, #tpu.memory_space<vmem>>) target_semaphore(%run_scoped3A_127 : memref<!tpu.dma_semaphore, #tpu.memory_space<semaphore_mem>>)
        %dma_wait3A = arith.constant 0 : i32
        %dma_wait3A_134 = tpu.memref_slice %arg2[%add3A_71, %mul3A_126, %dma_wait3A] : memref<4x160000x128xf32, #tpu.memory_space<hbm>> -> memref<1x128x128xf32, #tpu.memory_space<hbm>>
        %dma_wait3A_135 = tpu.memref_squeeze %dma_wait3A_134 : memref<1x128x128xf32, #tpu.memory_space<hbm>> -> memref<128x128xf32, #tpu.memory_space<hbm>>
        %dma_wait3A_136 = arith.constant 0 : i32
        %dma_wait3A_137 = tpu.memref_slice %arg2[%add3A_71, %mul3A_126, %dma_wait3A_136] : memref<4x160000x128xf32, #tpu.memory_space<hbm>> -> memref<1x128x128xf32, #tpu.memory_space<hbm>>
        %dma_wait3A_138 = tpu.memref_squeeze %dma_wait3A_137 : memref<1x128x128xf32, #tpu.memory_space<hbm>> -> memref<128x128xf32, #tpu.memory_space<hbm>>
        tpu.wait_dma2 semaphore(%run_scoped3A_127 : memref<!tpu.dma_semaphore, #tpu.memory_space<semaphore_mem>>) src(%dma_wait3A_138 : memref<128x128xf32, #tpu.memory_space<hbm>>) dst(%arg8 : memref<128x128xf32, #tpu.memory_space<vmem>>)
        tpu.yield
      }) : () -> ()
      "tpu.region"() ({
        %run_scoped3A_127 = tpu.sem_alloc : memref<!tpu.dma_semaphore, #tpu.memory_space<semaphore_mem>>
        %dma_start3A_128 = arith.constant 0 : i32
        %dma_start3A_129 = arith.constant 0 : i32
        %dma_start3A_130 = tpu.memref_slice %arg11[%dma_start3A_128, %dma_start3A_129] : memref<10000x128xf32, #tpu.memory_space<vmem_shared>> -> memref<10000x128xf32, #tpu.memory_space<vmem_shared>>
        tpu.enqueue_indirect_dma source(%arg8 : memref<128x128xf32, #tpu.memory_space<vmem>>) target(%dma_start3A_130 : memref<10000x128xf32, #tpu.memory_space<vmem_shared>>) offsets(%arg6 : memref<128xi32, #tpu.memory_space<vmem>>) semaphore(%run_scoped3A_127 : memref<!tpu.dma_semaphore, #tpu.memory_space<semaphore_mem>>) {add = true}
        %dma_wait3A = arith.constant 0 : i32
        %dma_wait3A_131 = arith.constant 0 : i32
        %dma_wait3A_132 = tpu.memref_slice %arg11[%dma_wait3A, %dma_wait3A_131] : memref<10000x128xf32, #tpu.memory_space<vmem_shared>> -> memref<10000x128xf32, #tpu.memory_space<vmem_shared>>
        tpu.wait_indirect_dma semaphore(%run_scoped3A_127 : memref<!tpu.dma_semaphore, #tpu.memory_space<semaphore_mem>>) src(%arg8 : memref<128x128xf32, #tpu.memory_space<vmem>>) dst(%dma_wait3A_132 : memref<10000x128xf32, #tpu.memory_space<vmem_shared>>)
        tpu.yield
      }) : () -> ()
    } else {
    }
    %barrier3A_111 = arith.constant 0 : index
    tpu.barrier barrier_id(%barrier3A_111)
    %while3A_112 = arith.constant 0 : i32
    %while3A_113 = arith.constant 0 : i32
    %while3A_114 = arith.subi %select_n3A, %while3A_113 : i32
    %while3A_115 = arith.addi %while3A_113, %while3A_114 : i32
    %while3A_116 = arith.constant 1 : i32
    %while3A_117 = arith.divsi %while3A_114, %while3A_116 : i32
    %while3A_118 = arith.muli %while3A_117, %while3A_116 : i32
    %while3A_119 = arith.addi %while3A_113, %while3A_118 : i32
    %while3A_120 = arith.constant 1 : i32
    scf.for %while3A_123 = %while3A_113 to %while3A_119 step %while3A_120  : i32 {
      %mul3A_124 = arith.constant 16 : i32
      %mul3A_125 = arith.muli %mul3A_124, %while3A_123 : i32
      %add3A_126 = arith.addi %arg1, %mul3A_125 : i32
      %mul3A_127 = arith.constant 80 : i32
      %mul3A_128 = arith.muli %add3A_126, %mul3A_127 : i32
      %mul3A_129 = arith.constant 80 : i32
      %mul3A_130 = arith.muli %add3A_126, %mul3A_129 : i32
      "tpu.region"() ({
        %run_scoped3A = tpu.sem_alloc : memref<!tpu.dma_semaphore, #tpu.memory_space<semaphore_mem>>
        %dma_start3A_131 = arith.constant 0 : i32
        %dma_start3A_132 = tpu.memref_slice %arg5[%add3A_71, %mul3A_130, %dma_start3A_131] : memref<4x10000x128xf32, #tpu.memory_space<hbm>> -> memref<1x80x128xf32, #tpu.memory_space<hbm>>
        %dma_start3A_133 = tpu.memref_squeeze %dma_start3A_132 : memref<1x80x128xf32, #tpu.memory_space<hbm>> -> memref<80x128xf32, #tpu.memory_space<hbm>>
        %dma_start3A_134 = arith.constant 0 : i32
        %dma_start3A_135 = tpu.memref_slice %arg11[%mul3A_128, %dma_start3A_134] : memref<10000x128xf32, #tpu.memory_space<vmem_shared>> -> memref<80x128xf32, #tpu.memory_space<vmem_shared>>
        tpu.enqueue_dma source(%dma_start3A_135 : memref<80x128xf32, #tpu.memory_space<vmem_shared>>) target(%dma_start3A_133 : memref<80x128xf32, #tpu.memory_space<hbm>>) target_semaphore(%run_scoped3A : memref<!tpu.dma_semaphore, #tpu.memory_space<semaphore_mem>>)
        %dma_wait3A = arith.constant 0 : i32
        %dma_wait3A_136 = tpu.memref_slice %arg5[%add3A_71, %mul3A_130, %dma_wait3A] : memref<4x10000x128xf32, #tpu.memory_space<hbm>> -> memref<1x80x128xf32, #tpu.memory_space<hbm>>
        %dma_wait3A_137 = tpu.memref_squeeze %dma_wait3A_136 : memref<1x80x128xf32, #tpu.memory_space<hbm>> -> memref<80x128xf32, #tpu.memory_space<hbm>>
        %dma_wait3A_138 = arith.constant 0 : i32
        %dma_wait3A_139 = tpu.memref_slice %arg11[%mul3A_128, %dma_wait3A_138] : memref<10000x128xf32, #tpu.memory_space<vmem_shared>> -> memref<80x128xf32, #tpu.memory_space<vmem_shared>>
        tpu.wait_dma2 semaphore(%run_scoped3A : memref<!tpu.dma_semaphore, #tpu.memory_space<semaphore_mem>>) src(%dma_wait3A_139 : memref<80x128xf32, #tpu.memory_space<vmem_shared>>) dst(%dma_wait3A_137 : memref<80x128xf32, #tpu.memory_space<hbm>>)
        tpu.yield
      }) : () -> ()
    }
    %while3A_121 = arith.constant 1 : i32
    scf.for %while3A_123 = %while3A_119 to %while3A_115 step %while3A_121  : i32 {
      %mul3A_124 = arith.constant 16 : i32
      %mul3A_125 = arith.muli %mul3A_124, %while3A_123 : i32
      %add3A_126 = arith.addi %arg1, %mul3A_125 : i32
      %mul3A_127 = arith.constant 80 : i32
      %mul3A_128 = arith.muli %add3A_126, %mul3A_127 : i32
      %mul3A_129 = arith.constant 80 : i32
      %mul3A_130 = arith.muli %add3A_126, %mul3A_129 : i32
      "tpu.region"() ({
        %run_scoped3A = tpu.sem_alloc : memref<!tpu.dma_semaphore, #tpu.memory_space<semaphore_mem>>
        %dma_start3A_131 = arith.constant 0 : i32
        %dma_start3A_132 = tpu.memref_slice %arg5[%add3A_71, %mul3A_130, %dma_start3A_131] : memref<4x10000x128xf32, #tpu.memory_space<hbm>> -> memref<1x80x128xf32, #tpu.memory_space<hbm>>
        %dma_start3A_133 = tpu.memref_squeeze %dma_start3A_132 : memref<1x80x128xf32, #tpu.memory_space<hbm>> -> memref<80x128xf32, #tpu.memory_space<hbm>>
        %dma_start3A_134 = arith.constant 0 : i32
        %dma_start3A_135 = tpu.memref_slice %arg11[%mul3A_128, %dma_start3A_134] : memref<10000x128xf32, #tpu.memory_space<vmem_shared>> -> memref<80x128xf32, #tpu.memory_space<vmem_shared>>
        tpu.enqueue_dma source(%dma_start3A_135 : memref<80x128xf32, #tpu.memory_space<vmem_shared>>) target(%dma_start3A_133 : memref<80x128xf32, #tpu.memory_space<hbm>>) target_semaphore(%run_scoped3A : memref<!tpu.dma_semaphore, #tpu.memory_space<semaphore_mem>>)
        %dma_wait3A = arith.constant 0 : i32
        %dma_wait3A_136 = tpu.memref_slice %arg5[%add3A_71, %mul3A_130, %dma_wait3A] : memref<4x10000x128xf32, #tpu.memory_space<hbm>> -> memref<1x80x128xf32, #tpu.memory_space<hbm>>
        %dma_wait3A_137 = tpu.memref_squeeze %dma_wait3A_136 : memref<1x80x128xf32, #tpu.memory_space<hbm>> -> memref<80x128xf32, #tpu.memory_space<hbm>>
        %dma_wait3A_138 = arith.constant 0 : i32
        %dma_wait3A_139 = tpu.memref_slice %arg11[%mul3A_128, %dma_wait3A_138] : memref<10000x128xf32, #tpu.memory_space<vmem_shared>> -> memref<80x128xf32, #tpu.memory_space<vmem_shared>>
        tpu.wait_dma2 semaphore(%run_scoped3A : memref<!tpu.dma_semaphore, #tpu.memory_space<semaphore_mem>>) src(%dma_wait3A_139 : memref<80x128xf32, #tpu.memory_space<vmem_shared>>) dst(%dma_wait3A_137 : memref<80x128xf32, #tpu.memory_space<hbm>>)
        tpu.yield
      }) : () -> ()
    }
    %barrier3A_122 = arith.constant 0 : index
    tpu.barrier barrier_id(%barrier3A_122)
    return
  }
}

module attributes {stable_mosaic.version = 14 : i64} {
  func.func @_sumsq_body(%arg0: i32, %arg1: memref<3x6400xf32, #tpu.memory_space<vmem>>, %arg2: memref<1x1xf32, #tpu.memory_space<smem>>) attributes {dimension_semantics = [#tpu.dimension_semantics<arbitrary>], iteration_bounds = array<i64: 25>, scalar_prefetch = 0 : i64, scratch_operands = 0 : i64, tpu.core_type = #tpu.core_type<tc>, window_params = [{transform_indices = @transform_0, window_bounds = array<i64: 3, 6400>}, {transform_indices = @transform_1, window_bounds = array<i64: 1, 1>}]} {
    %eq3A = arith.constant 0 : i32
    %eq3A_0 = arith.cmpi eq, %arg0, %eq3A : i32
    %convert_element_type3A = arith.extui %eq3A_0 : i1 to i32
    %cond3A = arith.constant 0 : i32
    %cond3A_1 = arith.cmpi ne, %convert_element_type3A, %cond3A : i32
    scf.if %cond3A_1 {
      %swap3A_13 = arith.constant 0.000000e+00 : f32
      %swap3A_14 = arith.constant 0 : index
      %swap3A_15 = arith.constant 0 : index
      %swap3A_16 = memref.load %arg2[%swap3A_14, %swap3A_15] : memref<1x1xf32, #tpu.memory_space<smem>>
      memref.store %swap3A_13, %arg2[%swap3A_14, %swap3A_15] : memref<1x1xf32, #tpu.memory_space<smem>>
    } else {
    }
    %get3A = arith.constant 0 : index
    %get3A_2 = arith.constant 0 : index
    %get3A_3 = vector.load %arg1[%get3A, %get3A_2] : memref<3x6400xf32, #tpu.memory_space<vmem>>, vector<3x6400xf32>
    %get3A_4 = arith.constant 0 : index
    %get3A_5 = arith.constant 0 : index
    %get3A_6 = memref.load %arg2[%get3A_4, %get3A_5] : memref<1x1xf32, #tpu.memory_space<smem>>
    %mul3A = arith.mulf %get3A_3, %get3A_3 : vector<3x6400xf32>
    %reduce_sum3A = vector.shape_cast %mul3A : vector<3x6400xf32> to vector<1x3x6400xf32>
    %reduce_sum3A_7 = arith.constant dense<0.000000e+00> : vector<1xf32>
    %reduce_sum3A_8 = vector.multi_reduction <add>, %reduce_sum3A, %reduce_sum3A_7 [1, 2] : vector<1x3x6400xf32> to vector<1xf32>
    %reduce_sum3A_9 = vector.shape_cast %reduce_sum3A_8 : vector<1xf32> to vector<1x1x1xf32>
    %reduce_sum3A_10 = vector.extract %reduce_sum3A_9[0, 0, 0] : f32 from vector<1x1x1xf32>
    %add3A = arith.addf %get3A_6, %reduce_sum3A_10 : f32
    %swap3A = arith.constant 0 : index
    %swap3A_11 = arith.constant 0 : index
    %swap3A_12 = memref.load %arg2[%swap3A, %swap3A_11] : memref<1x1xf32, #tpu.memory_space<smem>>
    memref.store %add3A, %arg2[%swap3A, %swap3A_11] : memref<1x1xf32, #tpu.memory_space<smem>>
    return
  }
  func.func @transform_0(%arg0: i32) -> (i32, i32) {
    %c0_i32 = arith.constant 0 : i32
    %c0_i32_0 = arith.constant 0 : i32
    return %c0_i32, %arg0 : i32, i32
  }
  func.func @transform_1(%arg0: i32) -> (i32, i32) {
    %c0_i32 = arith.constant 0 : i32
    %c0_i32_0 = arith.constant 0 : i32
    %c0_i32_1 = arith.constant 0 : i32
    return %c0_i32, %c0_i32_0 : i32, i32
  }
}

module attributes {stable_mosaic.version = 14 : i64} {
  func.func @_unpack_body(%arg0: i32, %arg1: memref<4x2000x128xf32, #tpu.memory_space<vmem>>, %arg2: memref<3x2000x128xf32, #tpu.memory_space<vmem>>, %arg3: memref<2000x1x128xf32, #tpu.memory_space<vmem>>) attributes {dimension_semantics = [#tpu.dimension_semantics<arbitrary>], iteration_bounds = array<i64: 5>, scalar_prefetch = 0 : i64, scratch_operands = 0 : i64, tpu.core_type = #tpu.core_type<tc>, window_params = [{transform_indices = @transform_0, window_bounds = array<i64: 4, 2000, 128>}, {transform_indices = @transform_1, window_bounds = array<i64: 3, 2000, 128>}, {transform_indices = @transform_2, window_bounds = array<i64: 2000, 1, 128>}]} {
    %get3A = arith.constant 0 : index
    %get3A_0 = arith.constant 0 : index
    %get3A_1 = arith.constant 0 : index
    %get3A_2 = vector.load %arg1[%get3A, %get3A_0, %get3A_1] : memref<4x2000x128xf32, #tpu.memory_space<vmem>>, vector<1x2000x128xf32>
    %get3A_3 = vector.shape_cast %get3A_2 : vector<1x2000x128xf32> to vector<2000x128xf32>
    %swap3A = arith.constant 0 : index
    %swap3A_4 = arith.constant 0 : index
    %swap3A_5 = arith.constant 0 : index
    %swap3A_6 = vector.load %arg3[%swap3A, %swap3A_4, %swap3A_5] : memref<2000x1x128xf32, #tpu.memory_space<vmem>>, vector<2000x1x128xf32>
    %swap3A_7 = vector.shape_cast %swap3A_6 : vector<2000x1x128xf32> to vector<2000x128xf32>
    %swap3A_8 = vector.shape_cast %get3A_3 : vector<2000x128xf32> to vector<2000x1x128xf32>
    tpu.vector_store %arg3[%swap3A, %swap3A_4, %swap3A_5], %swap3A_8 {strides = array<i32>} : memref<2000x1x128xf32, #tpu.memory_space<vmem>>, vector<2000x1x128xf32>,
    %get3A_9 = arith.constant 1 : index
    %get3A_10 = arith.constant 0 : index
    %get3A_11 = arith.constant 0 : index
    %get3A_12 = vector.load %arg1[%get3A_9, %get3A_10, %get3A_11] : memref<4x2000x128xf32, #tpu.memory_space<vmem>>, vector<1x2000x128xf32>
    %get3A_13 = vector.shape_cast %get3A_12 : vector<1x2000x128xf32> to vector<2000x128xf32>
    %swap3A_14 = arith.constant 0 : index
    %swap3A_15 = arith.constant 0 : index
    %swap3A_16 = arith.constant 0 : index
    %swap3A_17 = vector.load %arg2[%swap3A_14, %swap3A_15, %swap3A_16] : memref<3x2000x128xf32, #tpu.memory_space<vmem>>, vector<1x2000x128xf32>
    %swap3A_18 = vector.shape_cast %swap3A_17 : vector<1x2000x128xf32> to vector<2000x128xf32>
    %swap3A_19 = vector.shape_cast %get3A_13 : vector<2000x128xf32> to vector<1x2000x128xf32>
    tpu.vector_store %arg2[%swap3A_14, %swap3A_15, %swap3A_16], %swap3A_19 {strides = array<i32>} : memref<3x2000x128xf32, #tpu.memory_space<vmem>>, vector<1x2000x128xf32>,
    %get3A_20 = arith.constant 2 : index
    %get3A_21 = arith.constant 0 : index
    %get3A_22 = arith.constant 0 : index
    %get3A_23 = vector.load %arg1[%get3A_20, %get3A_21, %get3A_22] : memref<4x2000x128xf32, #tpu.memory_space<vmem>>, vector<1x2000x128xf32>
    %get3A_24 = vector.shape_cast %get3A_23 : vector<1x2000x128xf32> to vector<2000x128xf32>
    %swap3A_25 = arith.constant 1 : index
    %swap3A_26 = arith.constant 0 : index
    %swap3A_27 = arith.constant 0 : index
    %swap3A_28 = vector.load %arg2[%swap3A_25, %swap3A_26, %swap3A_27] : memref<3x2000x128xf32, #tpu.memory_space<vmem>>, vector<1x2000x128xf32>
    %swap3A_29 = vector.shape_cast %swap3A_28 : vector<1x2000x128xf32> to vector<2000x128xf32>
    %swap3A_30 = vector.shape_cast %get3A_24 : vector<2000x128xf32> to vector<1x2000x128xf32>
    tpu.vector_store %arg2[%swap3A_25, %swap3A_26, %swap3A_27], %swap3A_30 {strides = array<i32>} : memref<3x2000x128xf32, #tpu.memory_space<vmem>>, vector<1x2000x128xf32>,
    %get3A_31 = arith.constant 3 : index
    %get3A_32 = arith.constant 0 : index
    %get3A_33 = arith.constant 0 : index
    %get3A_34 = vector.load %arg1[%get3A_31, %get3A_32, %get3A_33] : memref<4x2000x128xf32, #tpu.memory_space<vmem>>, vector<1x2000x128xf32>
    %get3A_35 = vector.shape_cast %get3A_34 : vector<1x2000x128xf32> to vector<2000x128xf32>
    %swap3A_36 = arith.constant 2 : index
    %swap3A_37 = arith.constant 0 : index
    %swap3A_38 = arith.constant 0 : index
    %swap3A_39 = vector.load %arg2[%swap3A_36, %swap3A_37, %swap3A_38] : memref<3x2000x128xf32, #tpu.memory_space<vmem>>, vector<1x2000x128xf32>
    %swap3A_40 = vector.shape_cast %swap3A_39 : vector<1x2000x128xf32> to vector<2000x128xf32>
    %swap3A_41 = vector.shape_cast %get3A_35 : vector<2000x128xf32> to vector<1x2000x128xf32>
    tpu.vector_store %arg2[%swap3A_36, %swap3A_37, %swap3A_38], %swap3A_41 {strides = array<i32>} : memref<3x2000x128xf32, #tpu.memory_space<vmem>>, vector<1x2000x128xf32>,
    return
  }
  func.func @transform_0(%arg0: i32) -> (i32, i32, i32) {
    %c0_i32 = arith.constant 0 : i32
    %c0_i32_0 = arith.constant 0 : i32
    %c0_i32_1 = arith.constant 0 : i32
    return %c0_i32, %arg0, %c0_i32_0 : i32, i32, i32
  }
  func.func @transform_1(%arg0: i32) -> (i32, i32, i32) {
    %c0_i32 = arith.constant 0 : i32
    %c0_i32_0 = arith.constant 0 : i32
    %c0_i32_1 = arith.constant 0 : i32
    return %c0_i32, %arg0, %c0_i32_0 : i32, i32, i32
  }
  func.func @transform_2(%arg0: i32) -> (i32, i32, i32) {
    %c0_i32 = arith.constant 0 : i32
    %c0_i32_0 = arith.constant 0 : i32
    %c0_i32_1 = arith.constant 0 : i32
    return %arg0, %c0_i32, %c0_i32_0 : i32, i32, i32
  }
}

module attributes {stable_mosaic.version = 14 : i64} {
  func.func @_msg_body(%arg0: i32, %arg1: memref<3200x1x128xf32, #tpu.memory_space<vmem>>, %arg2: memref<3x3200xf32, #tpu.memory_space<vmem>>, %arg3: memref<3x3200x128xf32, #tpu.memory_space<vmem>>, %arg4: memref<128x384xf32, #tpu.memory_space<vmem>>, %arg5: memref<1x384xf32, #tpu.memory_space<vmem>>, %arg6: memref<20x384xf32, #tpu.memory_space<vmem>>, %arg7: memref<1x384xf32, #tpu.memory_space<vmem>>, %arg8: memref<1x1xf32, #tpu.memory_space<smem>>, %arg9: memref<4x3200x128xf32, #tpu.memory_space<vmem>>) attributes {dimension_semantics = [#tpu.dimension_semantics<arbitrary>], iteration_bounds = array<i64: 50>, scalar_prefetch = 0 : i64, scratch_operands = 0 : i64, tpu.core_type = #tpu.core_type<tc>, window_params = [{transform_indices = @transform_0, window_bounds = array<i64: 3200, 1, 128>}, {transform_indices = @transform_1, window_bounds = array<i64: 3, 3200>}, {transform_indices = @transform_2, window_bounds = array<i64: 3, 3200, 128>}, {pipeline_mode = #tpu.pipeline_mode<synchronous>, transform_indices = @transform_3, window_bounds = array<i64: 128, 384>}, {pipeline_mode = #tpu.pipeline_mode<synchronous>, transform_indices = @transform_4, window_bounds = array<i64: 1, 384>}, {pipeline_mode = #tpu.pipeline_mode<synchronous>, transform_indices = @transform_5, window_bounds = array<i64: 20, 384>}, {pipeline_mode = #tpu.pipeline_mode<synchronous>, transform_indices = @transform_6, window_bounds = array<i64: 1, 384>}, {transform_indices = @transform_7, window_bounds = array<i64: 1, 1>}, {transform_indices = @transform_8, window_bounds = array<i64: 4, 3200, 128>}]} {
    %get3A = arith.constant 0 : index
    %get3A_0 = arith.constant 0 : index
    %get3A_1 = arith.constant 0 : index
    %get3A_2 = vector.load %arg1[%get3A, %get3A_0, %get3A_1] : memref<3200x1x128xf32, #tpu.memory_space<vmem>>, vector<3200x1x128xf32>
    %get3A_3 = vector.shape_cast %get3A_2 : vector<3200x1x128xf32> to vector<3200x128xf32>
    %get3A_4 = arith.constant 0 : index
    %get3A_5 = arith.constant 0 : index
    %get3A_6 = vector.load %arg4[%get3A_4, %get3A_5] : memref<128x384xf32, #tpu.memory_space<vmem>>, vector<128x384xf32>
    %dot_general3A = arith.constant dense<0.000000e+00> : vector<3200x384xf32>
    %dot_general3A_7 = tpu.matmul %get3A_3, %get3A_6, %dot_general3A {dimension_numbers = #tpu.dot_dimension_numbers<[1], [0], [0], [1], [0, 0, 1, 1], [], []>, transpose_lhs_hint = false} : vector<3200x128xf32>, vector<128x384xf32>, vector<3200x384xf32> -> vector<3200x384xf32>
    %get3A_8 = arith.constant 0 : index
    %get3A_9 = arith.constant 0 : index
    %get3A_10 = vector.load %arg5[%get3A_8, %get3A_9] : memref<1x384xf32, #tpu.memory_space<vmem>>, vector<1x384xf32>
    %add3A = vector.broadcast %get3A_10 : vector<1x384xf32> to vector<3200x384xf32>
    %add3A_11 = arith.addf %dot_general3A_7, %add3A : vector<3200x384xf32>
    %get3A_12 = arith.constant 0 : index
    %get3A_13 = arith.constant 0 : index
    %get3A_14 = vector.load %arg2[%get3A_12, %get3A_13] : memref<3x3200xf32, #tpu.memory_space<vmem>>, vector<3x3200xf32>
    %mul3A = arith.mulf %get3A_14, %get3A_14 : vector<3x3200xf32>
    %reduce_sum3A = arith.constant dense<0.000000e+00> : vector<3200xf32>
    %reduce_sum3A_15 = vector.multi_reduction <add>, %mul3A, %reduce_sum3A [0] : vector<3x3200xf32> to vector<3200xf32>
    %broadcast_in_dim3A = vector.shape_cast %reduce_sum3A_15 : vector<3200xf32> to vector<1x3200xf32>
    %rsqrt3A = math.rsqrt %broadcast_in_dim3A : vector<1x3200xf32>
    %mul3A_16 = arith.mulf %broadcast_in_dim3A, %rsqrt3A : vector<1x3200xf32>
    %iota3A = tpu.iota {dimensions = array<i32: 0>} : vector<20x1xi32>
    %add3A_17 = arith.constant 1 : i32
    %add3A_18 = vector.broadcast %add3A_17 : i32 to vector<20x1xi32>
    %add3A_19 = arith.addi %iota3A, %add3A_18 : vector<20x1xi32>
    %convert_element_type3A = arith.sitofp %add3A_19 : vector<20x1xi32> to vector<20x1xf32>
    %mul3A_20 = arith.constant 0.628318548 : f32
    %mul3A_21 = vector.broadcast %mul3A_20 : f32 to vector<20x1xf32>
    %mul3A_22 = arith.mulf %convert_element_type3A, %mul3A_21 : vector<20x1xf32>
    %mul3A_23 = vector.broadcast %mul3A_16 : vector<1x3200xf32> to vector<20x3200xf32>
    %mul3A_24 = vector.broadcast %mul3A_22 : vector<20x1xf32> to vector<20x3200xf32>
    %mul3A_25 = arith.mulf %mul3A_23, %mul3A_24 : vector<20x3200xf32>
    %sin3A = math.sin %mul3A_25 : vector<20x3200xf32>
    %mul3A_26 = vector.broadcast %rsqrt3A : vector<1x3200xf32> to vector<20x3200xf32>
    %mul3A_27 = arith.mulf %sin3A, %mul3A_26 : vector<20x3200xf32>
    %le3A = arith.constant 5.000000e+00 : f32
    %le3A_28 = vector.broadcast %le3A : f32 to vector<20x3200xf32>
    %le3A_29 = arith.cmpf ole, %mul3A_27, %le3A_28 : vector<20x3200xf32>
    %mul3A_30 = arith.constant 0.628318548 : f32
    %mul3A_31 = vector.broadcast %mul3A_30 : f32 to vector<20x3200xf32>
    %mul3A_32 = arith.mulf %mul3A_27, %mul3A_31 : vector<20x3200xf32>
    %cos3A = math.cos %mul3A_32 : vector<20x3200xf32>
    %add3A_33 = arith.constant 1.000000e+00 : f32
    %add3A_34 = vector.broadcast %add3A_33 : f32 to vector<20x3200xf32>
    %add3A_35 = arith.addf %cos3A, %add3A_34 : vector<20x3200xf32>
    %mul3A_36 = arith.constant 5.000000e-01 : f32
    %mul3A_37 = vector.broadcast %mul3A_36 : f32 to vector<20x3200xf32>
    %mul3A_38 = arith.mulf %mul3A_37, %add3A_35 : vector<20x3200xf32>
    %jit3A = arith.constant 0.000000e+00 : f32
    %broadcast_in_dim3A_39 = vector.broadcast %jit3A : f32 to vector<20x3200xf32>
    %select_n3A = arith.select %le3A_29, %mul3A_38, %broadcast_in_dim3A_39 : vector<20x3200xi1>, vector<20x3200xf32>
    %get3A_40 = arith.constant 0 : index
    %get3A_41 = arith.constant 0 : index
    %get3A_42 = vector.load %arg6[%get3A_40, %get3A_41] : memref<20x384xf32, #tpu.memory_space<vmem>>, vector<20x384xf32>
    %dot_general3A_43 = arith.constant dense<0.000000e+00> : vector<3200x384xf32>
    %dot_general3A_44 = tpu.matmul %select_n3A, %get3A_42, %dot_general3A_43 {dimension_numbers = #tpu.dot_dimension_numbers<[0], [0], [1], [1], [0, 1, 1, 1], [], []>, transpose_lhs_hint = false} : vector<20x3200xf32>, vector<20x384xf32>, vector<3200x384xf32> -> vector<3200x384xf32>
    %get3A_45 = arith.constant 0 : index
    %get3A_46 = arith.constant 0 : index
    %get3A_47 = vector.load %arg7[%get3A_45, %get3A_46] : memref<1x384xf32, #tpu.memory_space<vmem>>, vector<1x384xf32>
    %add3A_48 = vector.broadcast %get3A_47 : vector<1x384xf32> to vector<3200x384xf32>
    %add3A_49 = arith.addf %dot_general3A_44, %add3A_48 : vector<3200x384xf32>
    %mul3A_50 = arith.mulf %add3A_49, %add3A_11 : vector<3200x384xf32>
    %slice3A = vector.extract_strided_slice %mul3A_50 {offsets = [0, 0], sizes = [3200, 128], strides = [1, 1]} : vector<3200x384xf32> to vector<3200x128xf32>
    %slice3A_51 = vector.extract_strided_slice %mul3A_50 {offsets = [0, 128], sizes = [3200, 128], strides = [1, 1]} : vector<3200x384xf32> to vector<3200x128xf32>
    %slice3A_52 = vector.extract_strided_slice %mul3A_50 {offsets = [0, 256], sizes = [3200, 128], strides = [1, 1]} : vector<3200x384xf32> to vector<3200x128xf32>
    %get3A_53 = arith.constant 0 : index
    %get3A_54 = arith.constant 0 : index
    %get3A_55 = memref.load %arg8[%get3A_53, %get3A_54] : memref<1x1xf32, #tpu.memory_space<smem>>
    %rsqrt3A_56 = math.rsqrt %get3A_55 : f32
    %iota3A_57 = tpu.iota {dimensions = array<i32: 0>} : vector<3x384xi32>
    %iota3A_58 = tpu.iota {dimensions = array<i32: 1>} : vector<3x384xi32>
    %jit3A_59 = arith.constant 128 : i32
    %div3A = vector.broadcast %jit3A_59 : i32 to vector<3x384xi32>
    %div3A_60 = arith.divsi %iota3A_58, %div3A : vector<3x384xi32>
    %sign3A = arith.constant 0 : i32
    %sign3A_61 = vector.broadcast %sign3A : i32 to vector<3x384xi32>
    %sign3A_62 = arith.cmpi sgt, %iota3A_58, %sign3A_61 : vector<3x384xi32>
    %sign3A_63 = arith.extui %sign3A_62 : vector<3x384xi1> to vector<3x384xi32>
    %sign3A_64 = arith.constant 0 : i32
    %sign3A_65 = vector.broadcast %sign3A_64 : i32 to vector<3x384xi32>
    %sign3A_66 = arith.cmpi slt, %iota3A_58, %sign3A_65 : vector<3x384xi32>
    %sign3A_67 = arith.extui %sign3A_66 : vector<3x384xi1> to vector<3x384xi32>
    %sign3A_68 = arith.subi %sign3A_63, %sign3A_67 : vector<3x384xi32>
    %sign3A_69 = arith.constant 0 : i32
    %sign3A_70 = arith.cmpi sgt, %jit3A_59, %sign3A_69 : i32
    %sign3A_71 = arith.extui %sign3A_70 : i1 to i32
    %sign3A_72 = arith.constant 0 : i32
    %sign3A_73 = arith.cmpi slt, %jit3A_59, %sign3A_72 : i32
    %sign3A_74 = arith.extui %sign3A_73 : i1 to i32
    %sign3A_75 = arith.subi %sign3A_71, %sign3A_74 : i32
    %ne3A = vector.broadcast %sign3A_75 : i32 to vector<3x384xi32>
    %ne3A_76 = arith.cmpi ne, %sign3A_68, %ne3A : vector<3x384xi32>
    %rem3A = vector.broadcast %jit3A_59 : i32 to vector<3x384xi32>
    %rem3A_77 = arith.remsi %iota3A_58, %rem3A : vector<3x384xi32>
    %ne3A_78 = arith.constant 0 : i32
    %ne3A_79 = vector.broadcast %ne3A_78 : i32 to vector<3x384xi32>
    %ne3A_80 = arith.cmpi ne, %rem3A_77, %ne3A_79 : vector<3x384xi32>
    %and3A = arith.andi %ne3A_76, %ne3A_80 : vector<3x384xi1>
    %sub3A = arith.constant 1 : i32
    %sub3A_81 = vector.broadcast %sub3A : i32 to vector<3x384xi32>
    %sub3A_82 = arith.subi %div3A_60, %sub3A_81 : vector<3x384xi32>
    %select_n3A_83 = arith.select %and3A, %sub3A_82, %div3A_60 : vector<3x384xi1>, vector<3x384xi32>
    %eq3A = arith.cmpi eq, %iota3A_57, %select_n3A_83 : vector<3x384xi32>
    %jit3A_84 = arith.constant 0.000000e+00 : f32
    %broadcast_in_dim3A_85 = vector.broadcast %rsqrt3A_56 : f32 to vector<3x384xf32>
    %broadcast_in_dim3A_86 = vector.broadcast %jit3A_84 : f32 to vector<3x384xf32>
    %select_n3A_87 = arith.select %eq3A, %broadcast_in_dim3A_85, %broadcast_in_dim3A_86 : vector<3x384xi1>, vector<3x384xf32>
    %dot_general3A_88 = arith.constant dense<0.000000e+00> : vector<3200x384xf32>
    %dot_general3A_89 = tpu.matmul %get3A_14, %select_n3A_87, %dot_general3A_88 {dimension_numbers = #tpu.dot_dimension_numbers<[0], [0], [1], [1], [0, 1, 1, 1], [], []>, transpose_lhs_hint = false} : vector<3x3200xf32>, vector<3x384xf32>, vector<3200x384xf32> -> vector<3200x384xf32>
    %swap3A = arith.constant 0 : index
    %swap3A_90 = arith.constant 0 : index
    %swap3A_91 = arith.constant 0 : index
    %swap3A_92 = vector.load %arg9[%swap3A, %swap3A_90, %swap3A_91] : memref<4x3200x128xf32, #tpu.memory_space<vmem>>, vector<1x3200x128xf32>
    %swap3A_93 = vector.shape_cast %swap3A_92 : vector<1x3200x128xf32> to vector<3200x128xf32>
    %swap3A_94 = vector.shape_cast %slice3A_51 : vector<3200x128xf32> to vector<1x3200x128xf32>
    tpu.vector_store %arg9[%swap3A, %swap3A_90, %swap3A_91], %swap3A_94 {strides = array<i32>} : memref<4x3200x128xf32, #tpu.memory_space<vmem>>, vector<1x3200x128xf32>,
    %get3A_95 = arith.constant 0 : index
    %get3A_96 = arith.constant 0 : index
    %get3A_97 = arith.constant 0 : index
    %get3A_98 = vector.load %arg3[%get3A_95, %get3A_96, %get3A_97] : memref<3x3200x128xf32, #tpu.memory_space<vmem>>, vector<1x3200x128xf32>
    %get3A_99 = vector.shape_cast %get3A_98 : vector<1x3200x128xf32> to vector<3200x128xf32>
    %mul3A_100 = arith.mulf %slice3A, %get3A_99 : vector<3200x128xf32>
    %slice3A_101 = vector.extract_strided_slice %dot_general3A_89 {offsets = [0, 0], sizes = [3200, 128], strides = [1, 1]} : vector<3200x384xf32> to vector<3200x128xf32>
    %mul3A_102 = arith.mulf %slice3A_52, %slice3A_101 : vector<3200x128xf32>
    %add3A_103 = arith.addf %mul3A_100, %mul3A_102 : vector<3200x128xf32>
    %swap3A_104 = arith.constant 1 : index
    %swap3A_105 = arith.constant 0 : index
    %swap3A_106 = arith.constant 0 : index
    %swap3A_107 = vector.load %arg9[%swap3A_104, %swap3A_105, %swap3A_106] : memref<4x3200x128xf32, #tpu.memory_space<vmem>>, vector<1x3200x128xf32>
    %swap3A_108 = vector.shape_cast %swap3A_107 : vector<1x3200x128xf32> to vector<3200x128xf32>
    %swap3A_109 = vector.shape_cast %add3A_103 : vector<3200x128xf32> to vector<1x3200x128xf32>
    tpu.vector_store %arg9[%swap3A_104, %swap3A_105, %swap3A_106], %swap3A_109 {strides = array<i32>} : memref<4x3200x128xf32, #tpu.memory_space<vmem>>, vector<1x3200x128xf32>,
    %get3A_110 = arith.constant 1 : index
    %get3A_111 = arith.constant 0 : index
    %get3A_112 = arith.constant 0 : index
    %get3A_113 = vector.load %arg3[%get3A_110, %get3A_111, %get3A_112] : memref<3x3200x128xf32, #tpu.memory_space<vmem>>, vector<1x3200x128xf32>
    %get3A_114 = vector.shape_cast %get3A_113 : vector<1x3200x128xf32> to vector<3200x128xf32>
    %mul3A_115 = arith.mulf %slice3A, %get3A_114 : vector<3200x128xf32>
    %slice3A_116 = vector.extract_strided_slice %dot_general3A_89 {offsets = [0, 128], sizes = [3200, 128], strides = [1, 1]} : vector<3200x384xf32> to vector<3200x128xf32>
    %mul3A_117 = arith.mulf %slice3A_52, %slice3A_116 : vector<3200x128xf32>
    %add3A_118 = arith.addf %mul3A_115, %mul3A_117 : vector<3200x128xf32>
    %swap3A_119 = arith.constant 2 : index
    %swap3A_120 = arith.constant 0 : index
    %swap3A_121 = arith.constant 0 : index
    %swap3A_122 = vector.load %arg9[%swap3A_119, %swap3A_120, %swap3A_121] : memref<4x3200x128xf32, #tpu.memory_space<vmem>>, vector<1x3200x128xf32>
    %swap3A_123 = vector.shape_cast %swap3A_122 : vector<1x3200x128xf32> to vector<3200x128xf32>
    %swap3A_124 = vector.shape_cast %add3A_118 : vector<3200x128xf32> to vector<1x3200x128xf32>
    tpu.vector_store %arg9[%swap3A_119, %swap3A_120, %swap3A_121], %swap3A_124 {strides = array<i32>} : memref<4x3200x128xf32, #tpu.memory_space<vmem>>, vector<1x3200x128xf32>,
    %get3A_125 = arith.constant 2 : index
    %get3A_126 = arith.constant 0 : index
    %get3A_127 = arith.constant 0 : index
    %get3A_128 = vector.load %arg3[%get3A_125, %get3A_126, %get3A_127] : memref<3x3200x128xf32, #tpu.memory_space<vmem>>, vector<1x3200x128xf32>
    %get3A_129 = vector.shape_cast %get3A_128 : vector<1x3200x128xf32> to vector<3200x128xf32>
    %mul3A_130 = arith.mulf %slice3A, %get3A_129 : vector<3200x128xf32>
    %slice3A_131 = vector.extract_strided_slice %dot_general3A_89 {offsets = [0, 256], sizes = [3200, 128], strides = [1, 1]} : vector<3200x384xf32> to vector<3200x128xf32>
    %mul3A_132 = arith.mulf %slice3A_52, %slice3A_131 : vector<3200x128xf32>
    %add3A_133 = arith.addf %mul3A_130, %mul3A_132 : vector<3200x128xf32>
    %swap3A_134 = arith.constant 3 : index
    %swap3A_135 = arith.constant 0 : index
    %swap3A_136 = arith.constant 0 : index
    %swap3A_137 = vector.load %arg9[%swap3A_134, %swap3A_135, %swap3A_136] : memref<4x3200x128xf32, #tpu.memory_space<vmem>>, vector<1x3200x128xf32>
    %swap3A_138 = vector.shape_cast %swap3A_137 : vector<1x3200x128xf32> to vector<3200x128xf32>
    %swap3A_139 = vector.shape_cast %add3A_133 : vector<3200x128xf32> to vector<1x3200x128xf32>
    tpu.vector_store %arg9[%swap3A_134, %swap3A_135, %swap3A_136], %swap3A_139 {strides = array<i32>} : memref<4x3200x128xf32, #tpu.memory_space<vmem>>, vector<1x3200x128xf32>,
    return
  }
  func.func @transform_0(%arg0: i32) -> (i32, i32, i32) {
    %c0_i32 = arith.constant 0 : i32
    %c0_i32_0 = arith.constant 0 : i32
    %c0_i32_1 = arith.constant 0 : i32
    return %arg0, %c0_i32, %c0_i32_0 : i32, i32, i32
  }
  func.func @transform_1(%arg0: i32) -> (i32, i32) {
    %c0_i32 = arith.constant 0 : i32
    %c0_i32_0 = arith.constant 0 : i32
    return %c0_i32, %arg0 : i32, i32
  }
  func.func @transform_2(%arg0: i32) -> (i32, i32, i32) {
    %c0_i32 = arith.constant 0 : i32
    %c0_i32_0 = arith.constant 0 : i32
    %c0_i32_1 = arith.constant 0 : i32
    return %c0_i32, %arg0, %c0_i32_0 : i32, i32, i32
  }
  func.func @transform_3(%arg0: i32) -> (i32, i32) {
    %c0_i32 = arith.constant 0 : i32
    %c0_i32_0 = arith.constant 0 : i32
    %c0_i32_1 = arith.constant 0 : i32
    return %c0_i32, %c0_i32_0 : i32, i32
  }
  func.func @transform_4(%arg0: i32) -> (i32, i32) {
    %c0_i32 = arith.constant 0 : i32
    %c0_i32_0 = arith.constant 0 : i32
    %c0_i32_1 = arith.constant 0 : i32
    return %c0_i32, %c0_i32_0 : i32, i32
  }
  func.func @transform_5(%arg0: i32) -> (i32, i32) {
    %c0_i32 = arith.constant 0 : i32
    %c0_i32_0 = arith.constant 0 : i32
    %c0_i32_1 = arith.constant 0 : i32
    return %c0_i32, %c0_i32_0 : i32, i32
  }
  func.func @transform_6(%arg0: i32) -> (i32, i32) {
    %c0_i32 = arith.constant 0 : i32
    %c0_i32_0 = arith.constant 0 : i32
    %c0_i32_1 = arith.constant 0 : i32
    return %c0_i32, %c0_i32_0 : i32, i32
  }
  func.func @transform_7(%arg0: i32) -> (i32, i32) {
    %c0_i32 = arith.constant 0 : i32
    %c0_i32_0 = arith.constant 0 : i32
    %c0_i32_1 = arith.constant 0 : i32
    return %c0_i32, %c0_i32_0 : i32, i32
  }
  func.func @transform_8(%arg0: i32) -> (i32, i32, i32) {
    %c0_i32 = arith.constant 0 : i32
    %c0_i32_0 = arith.constant 0 : i32
    %c0_i32_1 = arith.constant 0 : i32
    return %c0_i32, %arg0, %c0_i32_0 : i32, i32, i32
  }
}

</mosaic_0001>

<sc_bundles>
// kernel: kernel.6.cloned.1.call-start
scs
__scs_entry_jumppad:
0x0: {  	(pc) =	sbr.rel $0x88, $3  }
0x1: {  	(tag) =	ssettag $0x0;
	lr =	simm.s32 $0x1  }
0x2: {  	[smem:$0x3F99] =	sst lr;
	_ =	strace $0xD0000000  }
0x3: {  	_ = 	snop  }
0x4: {  	_ = 	snop  }
0x5: {  	_ = 	snop  }
0x6: {  	_ = 	snop  }
0x7: {  	_ = 	snop  }
__scs_overlays_trampoline_lowered:
0x8: {  	[smem:$0x3FA8] =	sst s0  }
0x9: {  	[smem:$0x3FA9] =	sst s1  }
0xa: {  	[smem:$0x3FAA] =	sst s2  }
0xb: {  	[smem:$0x3FAB] =	sst s3  }
0xc: {  	[smem:$0x3FAC] =	sst s4  }
0xd: {  	[smem:$0x3FAD] =	sst s5  }
0xe: {  	[smem:$0x3FAE] =	sst s6  }
0xf: {  	[smem:$0x3FAF] =	sst s7  }
0x10: {  	[smem:$0x3FB0] =	sst s8  }
0x11: {  	[smem:$0x3FB1] =	sst s9;
	s0 =	simm.s32 @!p0 $0x0  }
0x12: {  	s1 =	sld [smem:$0x3F97];
	s0 =	simm.s32 @p0 $0x1  }
0x13: {  	[smem:$0x3FB2] =	sst s0;
	s0 =	simm.s32 @!p1 $0x0  }
0x14: {  	s2 =	sld [smem:$0x3F96];
	s0 =	simm.s32 @p1 $0x1  }
0x15: {  	[smem:$0x3FB3] =	sst s0;
	s0 =	simm.s32 @!p2 $0x0  }
0x16: {  	s3 =	sld [smem:$0x3FDB];
	s0 =	simm.s32 @p2 $0x1  }
0x17: {  	s4 =	simm.s32 $0x1BF5;
	[smem:$0x3FB5] =	sst s0  }
0x18: {  	s0 =	sld [smem:$0x3F98];
	_ =	swait.ge [sflag:s4], $0x0  }
0x19: {  	s7 =	sld [smem:$0x3F99]  }
0x1a: {  	s8 =	sadd.s32 $0xFFFFE003, lr  }
0x1b: {  	s9 =	sadd.s32 $0xFFFFFEF7, lr;
	s5 =	simm.s32 $0xFFFFFFFF;
	p2 =	slt.u32 s8, $0xFFFFF086  }
0x1c: {  	p1 =	slt.u32 s9, $0xF7A;
	s5 =	simm.s32 @!p2 $0x0  }
0x1d: {  	s5 =	simm.s32 @p1 $0x1;
	p0 =	seq.s32 s7, s2  }
0x1e: {  	s7 =	smul.u32 @!p0 $0xF7A, s2;
	p2 =	seq.s32 @!p0 s5, $0x0  }
0x1f: {  	s9 =	smul.u32 $0xF7A, s1;
	s8 =	simm.s32 @!p0 $0x1BF5;
	p2 =	por !p2, p0  }
0x20: {  	[sflag:s8] =	ssyncset.s32 @!p0 $0xFFFFF086;
	s6 =	sadd.s32 @!p0 s3, s7;
	s7 =	simm.s32 @!p0 $0x108  }
0x21: {  	s3 =	sadd.s32 s3, s9;
	s6 =	sadd.s32 @!p0 $0x88, s6;
	s7 =	simm.s32 @p2 $0x1082  }
0x22: {  	[simem:s7], [sflag:s8] =	dma.local @!p0 [hbm:s6], $0xF7A  }
0x23: {  	s9 =	sor.u32 $0xD0000000, s2;
	s6 =	simm.s32 $0x108;
	_ =	swait.ge @!p0 [sflag:s8], $0x0  }
0x24: {  	s3 =	sadd.s32 $0x88, s3;
	s6 =	simm.s32 @!p1 $0x1082;
	[sflag:s4] =	ssyncset.s32 $0xFFFFF086  }
0x25: {  	[simem:s6], [sflag:s4] =	dma.local [hbm:s3], $0xF7A  }
0x26: {  	[smem:$0x3F99] =	sst s1;
	(tag) =	ssettag s2;
	_ =	strace s9  }
0x27: {  	s1 =	sld [smem:$0x3FA9]  }
0x28: {  	s2 =	sld [smem:$0x3FAA]  }
0x29: {  	s4 =	sld [smem:$0x3FAC]  }
0x2a: {  	p0 =	seq.s32 s5, $0x0;
	s5 =	sld [smem:$0x3FAD]  }
0x2b: {  	s6 =	sld [smem:$0x3FAE]  }
0x2c: {  	s7 =	sld [smem:$0x3FAF]  }
0x2d: {  	s3 =	simm.s32 $0x108;
	s8 =	sld [smem:$0x3FB0]  }
0x2e: {  	s3 =	simm.s32 @!p0 $0x1082;
	s9 =	sld [smem:$0x3FB1]  }
0x2f: {  	lr =	sadd.s32 s0, s3;
	s0 =	sld [smem:$0x3FA8]  }
0x30: {  	s3 =	sld [smem:$0x3FAB]  }
0x31: {  	[smem:$0x3FB4] =	sst s10  }
0x32: {  	s10 =	sld [smem:$0x3FB2];
	_ =	sdelay $0x3  }
0x33: {  	p0 =	seq.s32 s10, $0x1;
	s10 =	sld [smem:$0x3FB4];
	_ =	sdelay $0x3  }
0x34: {  	[smem:$0x3FB4] =	sst s10  }
0x35: {  	s10 =	sld [smem:$0x3FB3];
	_ =	sdelay $0x3  }
0x36: {  	p1 =	seq.s32 s10, $0x1;
	s10 =	sld [smem:$0x3FB4];
	_ =	sdelay $0x3  }
0x37: {  	[smem:$0x3FB4] =	sst s10  }
0x38: {  	s10 =	sld [smem:$0x3FB5]  }
0x39: {  	_ = 	snop;
	(pc) =	sbr.ind lr, $3  }
0x3a: {  	_ = 	snop  }
0x3b: {  	_ = 	snop  }
0x3c: {  	p2 =	seq.s32 s10, $0x1;
	s10 =	sld [smem:$0x3FB4]  }
0x3d: {  	_ =	shalt  }
0x3e: {  	_ =	shalt  }
0x3f: {  	_ =	shalt  }
0x40: {  	_ =	shalt  }
0x41: {  	_ =	shalt  }
0x42: {  	_ =	shalt  }
0x43: {  	_ =	shalt  }
0x44: {  	_ =	shalt  }
0x45: {  	_ =	shalt  }
0x46: {  	_ =	shalt  }
0x47: {  	_ =	shalt  }
0x48: {  	_ =	shalt  }
0x49: {  	_ =	shalt  }
0x4a: {  	_ =	shalt  }
0x4b: {  	_ =	shalt  }
0x4c: {  	_ =	shalt  }
0x4d: {  	_ =	shalt  }
0x4e: {  	_ =	shalt  }
0x4f: {  	_ =	shalt  }
0x50: {  	_ =	shalt  }
0x51: {  	_ =	shalt  }
0x52: {  	_ =	shalt  }
0x53: {  	_ =	shalt  }
0x54: {  	_ =	shalt  }
0x55: {  	_ =	shalt  }
0x56: {  	_ =	shalt  }
0x57: {  	_ =	shalt  }
0x58: {  	_ =	shalt  }
0x59: {  	_ =	shalt  }
0x5a: {  	_ =	shalt  }
0x5b: {  	_ =	shalt  }
0x5c: {  	_ =	shalt  }
0x5d: {  	_ =	shalt  }
0x5e: {  	_ =	shalt  }
0x5f: {  	_ =	shalt  }
0x60: {  	_ =	shalt  }
0x61: {  	_ =	shalt  }
0x62: {  	_ =	shalt  }
0x63: {  	_ =	shalt  }
0x64: {  	_ =	shalt  }
0x65: {  	_ =	shalt  }
0x66: {  	_ =	shalt  }
0x67: {  	_ =	shalt  }
0x68: {  	_ =	shalt  }
0x69: {  	_ =	shalt  }
0x6a: {  	_ =	shalt  }
0x6b: {  	_ =	shalt  }
0x6c: {  	_ =	shalt  }
0x6d: {  	_ =	shalt  }
0x6e: {  	_ =	shalt  }
0x6f: {  	_ =	shalt  }
0x70: {  	_ =	shalt  }
0x71: {  	_ =	shalt  }
0x72: {  	_ =	shalt  }
0x73: {  	_ =	shalt  }
0x74: {  	_ =	shalt  }
0x75: {  	_ =	shalt  }
0x76: {  	_ =	shalt  }
0x77: {  	_ =	shalt  }
0x78: {  	_ =	shalt  }
0x79: {  	_ =	shalt  }
0x7a: {  	_ =	shalt  }
0x7b: {  	_ =	shalt  }
0x7c: {  	_ =	shalt  }
0x7d: {  	_ =	shalt  }
0x7e: {  	_ =	shalt  }
0x7f: {  	_ =	shalt  }
0x80: {  	_ =	shalt  }
0x81: {  	_ =	shalt  }
0x82: {  	_ =	shalt  }
0x83: {  	_ =	shalt  }
0x84: {  	_ =	shalt  }
0x85: {  	_ =	shalt  }
0x86: {  	_ =	shalt  }
0x87: {  	_ =	shalt  }
.Lfunc_end0:
.L_simem_size_0:
called_computation_lowered:
.L_overlay_start_0:
0x88: {  	s2 =	sld [smem:$0x3FD9]  }
0x89: {  	s3 =	sld [smem:$0x3FFE];
	_ =	sdelay $0x1  }
0x8a: {  	s1 =	srdreg.scid  }
0x8b: {  	s0 =	sand.u32 $0x1, s1  }
0x8c: {  	s14 =	sshll.u32 s0, $0xA;
	s2 =	sadd.s32 s3, s2  }
0x8d: {  	s2 =	sadd.s32 s2, s14  }
0x8e: {  	[smem:$0x3FC0] =	sst s2  }
0x8f: {  	_ = 	snop  }
0x90: {  	s2 =	sld [smem:$0x3FD0];
	_ =	sdelay $0x2  }
0x91: {  	s15 =	simm.s32 $0xA;
	s4 =	simm.s32 $0x10  }
0x92: {  	[smem:s4], [sflag:s15] =	dma.local [hbm:s2], $0x1  }
0x93: {  	_ =	swait.eq [sflag:s15], $0x1  }
0x94: {  	[sflag:s15] =	ssyncset.done $0x0  }
0x95: {  	s16 =	sld [smem:$0x10];
	[sflag:s15] =	ssyncadd.s32 $0xFFFFFFFF  }
0x96: {  	s17 =	sld [smem:$0x11];
	(tm) =	ssettm $0x1  }
0x97: {  	s18 =	sld [smem:$0x3FFB];
	_ =	sdelay $0x3  }
0x98: {  	_ =	strace s18  }
0x99: {  	s4 =	sld [smem:$0x3FFC];
	_ =	sdelay $0x3  }
0x9a: {  	_ =	strace s4  }
0x9b: {  	s4 =	sld [smem:$0x3FFD];
	_ =	sdelay $0x3  }
0x9c: {  	_ =	strace s4  }
0x9d: {  	_ =	strace $0x8FFFFFFF  }
0x9e: {  	s19 =	sld [smem:$0x3FDB];
	_ =	sdelay $0x1  }
0x9f: {  	s5 =	simm.s32 $_scs_section_size  }
0xa0: {  	s6 =	simm.s32 $_size__tile_overlayer_lowered;
	s7 =	simm.s32 $_tile_overlayer_lowered  }
0xa1: {  	s22 =	simm.s32 $0x1BFF;
	s21 =	sshll.u32 s7, $0x1;
	s4 =	sadd.s32 s5, s19  }
0xa2: {  	s8 =	simm.s32 $0x0;
	s20 =	sshll.u32 s6, $0x1;
	s6 =	sadd.s32 s21, s4  }
0xa3: {  	[timem:s8], [sflag:s22] =	dma.local [hbm:s6], s20  }
0xa4: {  	_ =	swait.ge [sflag:s22], s20  }
0xa5: {  	s5 =	ssub.s32 $0x0, s20;
	[sflag:s22] =	ssyncset.done $0x0  }
0xa6: {  	[sflag:s22] =	ssyncadd.s32 s5;
	_ =	sdelay $0x1  }
0xa7: {  	s23 =	simm.s32 $0x1B8B  }
0xa8: {  	_ =	swait.ge [sflag:s23], $0x1  }
0xa9: {  	[sflag:s23] =	ssyncset.done $0x0  }
0xaa: {  	s25 =	simm.s32 $0x1B8E;
	s24 =	sld [smem:$0x3FFE];
	[sflag:s23] =	ssyncadd.s32 $0xFFFFFFFF  }
0xab: {  	s26 =	simm.s32 $execute0_lowered;
	[smem:$0x3FD2] =	sst s25  }
0xac: {  	s6 =	sshll.u32 s26, $0x1;
	_ =	strace $0x80000046;
	[dreg:$0x1] =	wrdreg $0xFFFFFFFF  }
0xad: {  	s28 =	simm.s32 $_size_execute0_lowered;
	s4 =	sadd.s32 s4, s6;
	[dreg:$0x0] =	wrdreg $0x0  }
0xae: {  	s6 =	sshll.u32 s28, $0x1;
	[dreg:$0x2] =	wrdreg s4  }
0xaf: {  	[dreg:$0x3] =	wrdreg s6  }
0xb0: {  	[dreg:$0x4] =	wrdreg $0xC0  }
0xb1: {  	_ =	task [dreg:s8], $0x5FFFF  }
0xb2: {  	[dreg:$0x1] =	wrdreg $0xFFFFFFFF  }
0xb3: {  	[dreg:$0x0] =	wrdreg $0x60  }
0xb4: {  	[dreg:$0x2] =	wrdreg s24  }
0xb5: {  	[dreg:$0x3] =	wrdreg s17  }
0xb6: {  	[dreg:$0x4] =	wrdreg s16  }
0xb7: {  	[dreg:$0x5] =	wrdreg $0xA9000  }
0xb8: {  	[dreg:$0x6] =	wrdreg $0x9  }
0xb9: {  	_ =	task.clear_ibuf [dreg:s8], $0x7FFFF;
	_ =	strace $0x90000046  }
0xba: {  	s29 =	simm.s32 $0x9;
	_ =	strace $0x80000048  }
0xbb: {  	_ =	swait.ge [sflag:s29], $0x1  }
0xbc: {  	[sflag:s29] =	ssyncadd.s32 $0xFFFFFFFF  }
0xbd: {  	_ =	strace $0x90000048  }
0xbe: {  	_ =	sfence  }
0xbf: {  	s30 =	sld [smem:$0x0];
	_ =	sdelay $0x2  }
0xc0: {  	s31 =	sshll.u32 s1, $0xD;
	s1 =	sshrl.u32 s1, $0x2  }
0xc1: {  	s3 =	sand.u32 $0x4000, s31;
	s1 =	sadd.s32 s1, s30  }
0xc2: {  	s0 =	sor.u32 s3, s0;
	s1 =	sshll.u32 s1, $0x11  }
0xc3: {  	s0 =	sor.u32 s1, s0  }
0xc4: {  	s0 =	sadd.s32 $0x8F2B, s0  }
0xc5: {  	[sflag:s0] =	ssyncadd.remote.s32 $0x1  }
0xc6: {  	_ =	sfence.sel $0xFFFF  }
0xc7: {  	[dreg:$0x0] =	wrdreg $0xFFFFFFFF;
	(pc) =	sbr.abs _section_cstart, $3  }
0xc8: {  	[dreg:$0x1] =	wrdreg $0xFFFFFFFF  }
0xc9: {  	_ =	task.clear_ibuf [dreg:s8], $0x2FFFF;
	_ =	strace $0x9FFFFFFF  }
0xca: {  	(tm) =	ssettm $0x7FFFFFFF  }
0xcb: {  	_ =	shalt  }
tec
execute0_lowered:
.L_overlay_start_1:
0x0: {  	(tag) =	ssettag $0x1  }
0x1: {  	s0 =	rddreg [dreg:$0x0]  }
0x2: {  	s1 =	rddreg [dreg:$0x1]  }
0x3: {  	s17 =	rddreg [dreg:$0x2]  }
0x4: {  	s2 =	rddreg [dreg:$0x3]  }
0x5: {  	s3 =	simm.s32 $0x0;
	s4 =	srdreg.scid;
	s20 =	stileid.u32  }
0x6: {  	s28 =	simm.s32 $0x100;
	s29 =	simm.s32 $0x80;
	s30 =	simm.s32 $0x4100  }
0x7: {  	s31 =	simm.s32 $0x1;
	[smem:$0x7FF] =	sst s3;
	s4 =	sand.u32 $0x1, s4  }
0x8: {  	s5 =	sadd.s32 $0xE00, s0;
	s0 =	sadd.s32 $0x9C4E00, s0;
	s19 =	ssub.s32 $0x8C, s20  }
0x9: {  	s21 =	sshll.u32 s20, $0x7;
	s9 =	sshll.u32 s20, $0x4;
	s11 =	sshll.u32 s20, $0xE  }
0xa: {  	s26 =	sor.u32 $0x4D0, s20;
	p0 =	sgt.u32 s20, $0x1;
	s10 =	smul.u32 $0x2710000, s4  }
0xb: {  	s6 =	ssub.s32 $0x2, s4;
	s16 =	sshllo.u32 s4, $0x1;
	s4 =	smul.u32 $0x271000, s4  }
0xc: {  	_ =	strace $0x80000047;
	s12 =	sor.u32 $0x27000, s21;
	s21 =	smul.u32 $0x2800, s20  }
0xd: {  	s7 =	sshrl.u32 s6, $0x1;
	s14 =	sshll.u32 s12, $0x7;
	s12 =	sshrl.u32 s12, $0x3  }
0xe: {  	s16 =	smul.u32 $0x1388000, s16;
	s8 =	ssub.s32 s6, s7;
	s6 =	sshrl.u32 s19, $0x4  }
0xf: {  	s7 =	sadd.s32 s1, s9;
	s13 =	sadd.s32 s11, s10;
	s15 =	sadd.s32 s10, s14  }
0x10: {  	s23 =	sadd.s32 s1, s12;
	s19 =	smul.u32 $0xA000, s20;
	s4 =	sadd.s32 s21, s4  }
0x11: {  	s22 =	sshrl.u32 s13, $0x3;
	s15 =	sshrl.u32 s15, $0x3;
	[dreg:$0x6] =	wrdreg s23  }
0x12: {  	s11 =	sadd.s32 s11, s16;
	s25 =	sadd.s32 s14, s16;
	s14 =	sshll.u32 s26, $0x4  }
0x13: {  	s8 =	smax.u32 s8, $0x1;
	s23 =	sadd.s32 $0x40000, s13;
	s9 =	sadd.s32 s5, s22  }
0x14: {  	s24 =	sadd.s32 s5, s15;
	s11 =	sshrl.u32 s11, $0x3;
	s12 =	sshrl.u32 s25, $0x3  }
0x15: {  	[dreg:$0xa] =	wrdreg s8;
	s14 =	sadd.s32 s1, s14;
	s15 =	sshll.u32 s26, $0xE  }
0x16: {  	s22 =	sshrl.u32 s19, $0x2;
	s25 =	sadd.s32 $0x13C8000, s13;
	[dreg:$0x5] =	wrdreg s9  }
0x17: {  	s26 =	sadd.s32 $0x1408000, s13;
	[dreg:$0x7] =	wrdreg s24;
	s11 =	sadd.s32 s5, s11  }
0x18: {  	s12 =	sadd.s32 s5, s12;
	s18 =	sadd.s32 s10, s15;
	s1 =	sadd.s32 s16, s15  }
0x19: {  	s15 =	sadd.s32 s22, s2;
	s9 =	smov.u32 s7;
	[dreg:$0x8] =	wrdreg s11  }
0x1a: {  	s24 =	sshrl.u32 s4, $0x3;
	s4 =	sadd.s32 $0x138800, s4;
	[dreg:$0x9] =	wrdreg s12  }
0x1b: {  	s8 =	sshrl.u32 s18, $0x3;
	s1 =	sshrl.u32 s1, $0x3;
	s18 =	sadd.s32 $0x100, s7  }
0x1c: {  	s11 =	sadd.s32 $0x80000, s13;
	s21 =	sadd.s32 s24, s0;
	s4 =	sshrl.u32 s4, $0x3  }
0x1d: {  	s8 =	sadd.s32 s5, s8;
	s1 =	sadd.s32 s5, s1;
	s24 =	sadd.s32 s4, s0  }
0x1e: {  	s0 =	simm.s32 $0x2;
	s4 =	simm.s32 $0x0;
	[dreg:$0xb] =	wrdreg s8  }
0x1f: {  	[dreg:$0xc] =	wrdreg s1;
	s1 =	sshrl.u32 s23, $0x3;
	s8 =	sshrl.u32 s26, $0x3  }
0x20: {  	s26 =	simm.s32 $0x3;
	s19 =	sadd.s32 s1, s5;
	s1 =	sshrl.u32 s25, $0x3  }
0x21: {  	s23 =	sadd.s32 s8, s5;
	s25 =	simm.s32 $0x8100;
	s22 =	sadd.s32 s1, s5  }
.LBB2_1:
0x22: {  	[tilespmem:s25], [sflag:$0x3] =	stream.linear.gather [hbm4b:s17+s3], $0x2800, $0x38;
	[tilespmem:$0x1E180] =	vst v63  }
0x23: {  	p1 =	sne.s32 s6, $0x1;
	_ =	swait.ge [sflag:s26], $0x2800  }
.Ltmp0:
0x24: {  	[sflag:s26] =	ssyncset.done $0x0;
	(pc) =	sbr.rel @!p1 .LBB2_3-.Ltmp0, $4  }
0x25: {  	[sflag:s26] =	ssyncadd.s32 $0xFFFFD800  }
0x26: {  	[spmem:s15] =	stream.linear.scatter [tilespmem:s25], [sflag:$0x3], $0x2800, $0x38;
	[tilespmem:$0x1E180] =	vst v63  }
0x27: {  	_ =	swait.ge [sflag:s26], $0x2800  }
0x28: {  	s1 =	sadd.s32 $0xFFFFFFFF, s6;
	s8 =	smov.u32 s15;
	[sflag:s26] =	ssyncset.done $0x0  }
.LBB2_2:
0x29: {  	p2 =	sne.s32 s1, $0x1;
	[sflag:s26] =	ssyncadd.s32 $0xFFFFD800;
	s8 =	sadd.s32 $0x28000, s8  }
.Ltmp1:
0x2a: {  	s1 =	sadd.s32 $0xFFFFFFFF, s1;
	(pc) =	sbr.rel @p2 .LBB2_2-.Ltmp1, $4  }
0x2b: {  	_ = 	snop  }
0x2c: {  	[spmem:s8] =	stream.linear.scatter [tilespmem:s25], [sflag:$0x3], $0x2800, $0x38;
	[tilespmem:$0x1E180] =	vst v63  }
0x2d: {  	_ =	swait.ge [sflag:s26], $0x2800  }
0x2e: {  	[sflag:s26] =	ssyncset.done $0x0  }
.LBB2_3:
0x2f: {  	[sflag:s26] =	ssyncadd.s32 $0xFFFFD800  }
0x30: {  	s1 =	simm.s32 $0x0;
	[bflag:$0x0] =	sbarrier.arrive $0xFFFF  }
0x31: {  	[tilespmem:s1], [sflag:$0x1] =	stream.linear.gather [hbm4b:s9+s1], $0x80, $0x38;
	[tilespmem:$0x1E180] =	vst v63  }
0x32: {  	s8 =	rddreg [dreg:$0x5]  }
0x33: {  	[tilespmem:s28], [sflag:$0x1] =	stream.linear.gather [hbm4b:s8+s1], $0x4000, $0x38;
	[tilespmem:$0x1E180] =	vst v63  }
0x34: {  	_ = 	snop  }
0x35: {  	[tilespmem:s29], [sflag:$0x2] =	stream.linear.gather [hbm4b:s18+s3], $0x80, $0x38;
	[tilespmem:$0x1E180] =	vst v63  }
0x36: {  	s7 =	smov.u32 s17;
	s17 =	sadd.s32 $0x0, s19  }
0x37: {  	[tilespmem:s30], [sflag:$0x2] =	stream.linear.gather [hbm4b:s17+s3], $0x4000, $0x38;
	[tilespmem:$0x1E180] =	vst v63  }
0x38: {  	_ =	swait.ge [sflag:s31], $0x80  }
0x39: {  	[sflag:s31] =	ssyncset.done $0x0  }
0x3a: {  	[sflag:s31] =	ssyncadd.s32 $0xFFFFFF80  }
0x3b: {  	_ =	swait.ge [sflag:s31], $0x4000  }
0x3c: {  	[sflag:s31] =	ssyncset.done $0x0  }
0x3d: {  	[sflag:s31] =	ssyncadd.s32 $0xFFFFC000  }
0x3e: {  	[spmem:s2] =	stream.indirect.scatter.add.f32 [tilespmem:s28], [sflag:$0x3], $0x80, s3, s29, $0xb8;
	[tilespmem:$0x1E180] =	vst v63  }
0x3f: {  	_ =	swait.ge [sflag:s26], $0x4000  }
0x40: {  	[sflag:s26] =	ssyncset.done $0x0  }
0x41: {  	s20 =	sshrl.u32 s11, $0x3;
	s8 =	sadd.s32 $0x100, s18;
	[sflag:s26] =	ssyncadd.s32 $0xFFFFC000  }
0x42: {  	[tilespmem:s3], [sflag:$0x1] =	stream.linear.gather [hbm4b:s8+s3], $0x80, $0x38;
	[tilespmem:$0x1E180] =	vst v63  }
0x43: {  	s1 =	sadd.s32 s5, s20  }
0x44: {  	[tilespmem:s28], [sflag:$0x1] =	stream.linear.gather [hbm4b:s1+s3], $0x4000, $0x38;
	[tilespmem:$0x1E180] =	vst v63  }
0x45: {  	_ =	swait.ge [sflag:s0], $0x80  }
0x46: {  	[sflag:s0] =	ssyncset.done $0x0  }
0x47: {  	[sflag:s0] =	ssyncadd.s32 $0xFFFFFF80  }
0x48: {  	_ =	swait.ge [sflag:s0], $0x4000  }
0x49: {  	[sflag:s0] =	ssyncset.done $0x0  }
0x4a: {  	[sflag:s0] =	ssyncadd.s32 $0xFFFFC000  }
0x4b: {  	[spmem:s2] =	stream.indirect.scatter.add.f32 [tilespmem:s30], [sflag:$0x3], $0x80, s29, s29, $0xb8;
	[tilespmem:$0x1E180] =	vst v63  }
0x4c: {  	s10 =	smov.u32 s18;
	_ =	swait.ge [sflag:s26], $0x4000  }
0x4d: {  	s20 =	smov.u32 s11;
	s1 =	simm.s32 $0x10000;
	[sflag:s26] =	ssyncset.done $0x0  }
.LBB2_4:
0x4e: {  	[sflag:s26] =	ssyncadd.s32 $0xFFFFC000;
	s10 =	sadd.s32 $0x200, s10;
	s20 =	sadd.s32 $0x80000, s20  }
0x4f: {  	[tilespmem:s29], [sflag:$0x2] =	stream.linear.gather [hbm4b:s10+s3], $0x80, $0x38;
	[tilespmem:$0x1E180] =	vst v63  }
0x50: {  	s12 =	sadd.s32 s1, s19;
	p2 =	sne.s32 s1, $0x250000;
	s1 =	sadd.s32 $0x10000, s1  }
0x51: {  	[tilespmem:s30], [sflag:$0x2] =	stream.linear.gather [hbm4b:s12+s3], $0x4000, $0x38;
	[tilespmem:$0x1E180] =	vst v63  }
0x52: {  	_ =	swait.ge [sflag:s31], $0x80  }
0x53: {  	[sflag:s31] =	ssyncset.done $0x0  }
0x54: {  	[sflag:s31] =	ssyncadd.s32 $0xFFFFFF80  }
0x55: {  	_ =	swait.ge [sflag:s31], $0x4000  }
0x56: {  	[sflag:s31] =	ssyncset.done $0x0  }
0x57: {  	[sflag:s31] =	ssyncadd.s32 $0xFFFFC000  }
0x58: {  	[spmem:s2] =	stream.indirect.scatter.add.f32 [tilespmem:s28], [sflag:$0x3], $0x80, s3, s29, $0xb8;
	[tilespmem:$0x1E180] =	vst v63  }
0x59: {  	_ =	swait.ge [sflag:s26], $0x4000  }
0x5a: {  	[sflag:s26] =	ssyncset.done $0x0  }
0x5b: {  	s13 =	sshrl.u32 s20, $0x3;
	s12 =	sadd.s32 $0x100, s10;
	[sflag:s26] =	ssyncadd.s32 $0xFFFFC000  }
0x5c: {  	[tilespmem:s3], [sflag:$0x1] =	stream.linear.gather [hbm4b:s12+s3], $0x80, $0x38;
	[tilespmem:$0x1E180] =	vst v63  }
0x5d: {  	s12 =	sadd.s32 s5, s13  }
0x5e: {  	[tilespmem:s28], [sflag:$0x1] =	stream.linear.gather [hbm4b:s12+s3], $0x4000, $0x38;
	[tilespmem:$0x1E180] =	vst v63  }
0x5f: {  	_ =	swait.ge [sflag:s0], $0x80  }
0x60: {  	[sflag:s0] =	ssyncset.done $0x0  }
0x61: {  	[sflag:s0] =	ssyncadd.s32 $0xFFFFFF80  }
0x62: {  	_ =	swait.ge [sflag:s0], $0x4000  }
.Ltmp2:
0x63: {  	[sflag:s0] =	ssyncset.done $0x0;
	(pc) =	sbr.rel @p2 .LBB2_4-.Ltmp2, $4  }
0x64: {  	[sflag:s0] =	ssyncadd.s32 $0xFFFFC000  }
0x65: {  	[spmem:s2] =	stream.indirect.scatter.add.f32 [tilespmem:s30], [sflag:$0x3], $0x80, s29, s29, $0xb8;
	[tilespmem:$0x1E180] =	vst v63  }
0x66: {  	_ =	swait.ge [sflag:s26], $0x4000  }
0x67: {  	[sflag:s26] =	ssyncset.done $0x0  }
0x68: {  	[sflag:s26] =	ssyncadd.s32 $0xFFFFC000  }
0x69: {  	[tilespmem:s29], [sflag:$0x2] =	stream.linear.gather [hbm4b:s14+s3], $0x80, $0x38;
	[tilespmem:$0x1E180] =	vst v63  }
0x6a: {  	s1 =	rddreg [dreg:$0xb]  }
0x6b: {  	[tilespmem:s30], [sflag:$0x2] =	stream.linear.gather [hbm4b:s1+s3], $0x4000, $0x38;
	[tilespmem:$0x1E180] =	vst v63  }
0x6c: {  	_ =	swait.ge [sflag:s31], $0x80  }
0x6d: {  	[sflag:s31] =	ssyncset.done $0x0  }
0x6e: {  	[sflag:s31] =	ssyncadd.s32 $0xFFFFFF80  }
0x6f: {  	_ =	swait.ge [sflag:s31], $0x4000  }
0x70: {  	[sflag:s31] =	ssyncset.done $0x0  }
0x71: {  	[sflag:s31] =	ssyncadd.s32 $0xFFFFC000  }
0x72: {  	[spmem:s2] =	stream.indirect.scatter.add.f32 [tilespmem:s28], [sflag:$0x3], $0x80, s3, s29, $0xb8;
	[tilespmem:$0x1E180] =	vst v63  }
0x73: {  	_ =	swait.ge [sflag:s26], $0x4000  }
0x74: {  	[sflag:s26] =	ssyncset.done $0x0  }
0x75: {  	[sflag:s26] =	ssyncadd.s32 $0xFFFFC000  }
0x76: {  	_ =	swait.ge [sflag:s0], $0x80  }
0x77: {  	[sflag:s0] =	ssyncset.done $0x0  }
0x78: {  	[sflag:s0] =	ssyncadd.s32 $0xFFFFFF80  }
0x79: {  	_ =	swait.ge [sflag:s0], $0x4000  }
0x7a: {  	[sflag:s0] =	ssyncset.done $0x0  }
0x7b: {  	[sflag:s0] =	ssyncadd.s32 $0xFFFFC000  }
0x7c: {  	[spmem:s2] =	stream.indirect.scatter.add.f32 [tilespmem:s30], [sflag:$0x3], $0x80, s29, s29, $0xb8;
	[tilespmem:$0x1E180] =	vst v63  }
0x7d: {  	_ =	swait.ge [sflag:s26], $0x4000  }
0x7e: {  	[sflag:s26] =	ssyncset.done $0x0  }
0x7f: {  	s1 =	simm.s32 @!p0 $0x0;
	s10 =	rddreg [dreg:$0x6];
	[sflag:s26] =	ssyncadd.s32 $0xFFFFC000  }
0x80: {  	[tilespmem:s1], [sflag:$0x3] =	stream.linear.gather @!p0 [hbm4b:s10+s1], $0x80, $0x38;
	[tilespmem:$0x1E180] =	vst v63  }
0x81: {  	s10 =	simm.s32 @!p0 $0x3  }
0x82: {  	_ =	swait.ge @!p0 [sflag:s10], $0x80  }
0x83: {  	[sflag:s10] =	ssyncset.done @!p0 $0x0  }
0x84: {  	s12 =	simm.s32 @!p0 $0x100;
	s13 =	rddreg [dreg:$0x7];
	[sflag:s10] =	ssyncadd.s32 @!p0 $0xFFFFFF80  }
0x85: {  	[tilespmem:s12], [sflag:$0x3] =	stream.linear.gather @!p0 [hbm4b:s13+s1], $0x4000, $0x38;
	[tilespmem:$0x1E180] =	vst v63  }
0x86: {  	_ =	swait.ge @!p0 [sflag:s10], $0x4000  }
0x87: {  	[sflag:s10] =	ssyncset.done @!p0 $0x0  }
0x88: {  	s13 =	simm.s32 @!p0 $0x80;
	[sflag:s10] =	ssyncadd.s32 @!p0 $0xFFFFC000  }
0x89: {  	[spmem:s2] =	stream.indirect.scatter.add.f32 @!p0 [tilespmem:s12], [sflag:$0x3], $0x80, s1, s13, $0xb8;
	[tilespmem:$0x1E180] =	vst v63  }
0x8a: {  	_ =	swait.ge @!p0 [sflag:s10], $0x4000  }
.Ltmp3:
0x8b: {  	s20 =	stileid.u32;
	[sflag:s10] =	ssyncset.done @!p0 $0x0;
	(pc) =	sbr.rel @!p1 .LBB2_7-.Ltmp3, $4  }
0x8c: {  	s17 =	smov.u32 s15;
	s20 =	sshll.u32 s20, $0x6;
	[sflag:s10] =	ssyncadd.s32 @!p0 $0xFFFFC000  }
0x8d: {  	s1 =	sor.u32 $0x1C03, s20;
	s10 =	sshrl.u32 s15, $0x3;
	[bflag:$0x0] =	sbarrier.arrive $0xFFFF  }
0x8e: {  	[hbm:s21], [sflag:s1] =	dma.local [spmem:s10], $0x500  }
0x8f: {  	s12 =	sadd.s32 $0xFFFFFFFF, s6;
	s13 =	sadd.s32 $0x5000, s21;
	_ =	swait.ge [sflag:s26], $0x500  }
.LBB2_6:
0x90: {  	[sflag:s26] =	ssyncset.done $0x0  }
0x91: {  	s17 =	sadd.s32 $0x28000, s17;
	s1 =	sor.u32 $0x1C03, s20;
	p2 =	sne.s32 s12, $0x1  }
.Ltmp4:
0x92: {  	s16 =	sshrl.u32 s17, $0x3;
	[sflag:s26] =	ssyncadd.s32 $0xFFFFFB00;
	(pc) =	sbr.rel @p2 .LBB2_6-.Ltmp4, $3  }
0x93: {  	[hbm:s13], [sflag:s1] =	dma.local [spmem:s16], $0x500  }
0x94: {  	s12 =	sadd.s32 $0xFFFFFFFF, s12;
	_ =	sdelay $0x1  }
0x95: {  	s13 =	sadd.s32 $0x5000, s13;
	_ =	swait.ge [sflag:s26], $0x500  }
.LBB2_7:
0x96: {  	[sflag:s26] =	ssyncset.done $0x0  }
0x97: {  	[sflag:s26] =	ssyncadd.s32 $0xFFFFFB00  }
0x98: {  	[bflag:$0x0] =	sbarrier.arrive $0xFFFF  }
0x99: {  	[tilespmem:s25], [sflag:$0x3] =	stream.linear.gather [hbm4b:s7+s3], $0x2800, $0x38;
	[tilespmem:$0x1E180] =	vst v63  }
0x9a: {  	_ =	swait.ge [sflag:s26], $0x2800  }
.Ltmp5:
0x9b: {  	[sflag:s26] =	ssyncset.done $0x0;
	(pc) =	sbr.rel @!p1 .LBB2_9-.Ltmp5, $4  }
0x9c: {  	[sflag:s26] =	ssyncadd.s32 $0xFFFFD800  }
0x9d: {  	[spmem:s15] =	stream.linear.scatter [tilespmem:s25], [sflag:$0x3], $0x2800, $0x38;
	[tilespmem:$0x1E180] =	vst v63  }
0x9e: {  	s17 =	smov.u32 s7;
	_ =	swait.ge [sflag:s26], $0x2800  }
0x9f: {  	s12 =	sadd.s32 $0xFFFFFFFF, s6;
	s13 =	smov.u32 s15;
	[sflag:s26] =	ssyncset.done $0x0  }
.LBB2_8:
0xa0: {  	p2 =	sne.s32 s12, $0x1;
	[sflag:s26] =	ssyncadd.s32 $0xFFFFD800;
	s13 =	sadd.s32 $0x28000, s13  }
.Ltmp6:
0xa1: {  	s12 =	sadd.s32 $0xFFFFFFFF, s12;
	(pc) =	sbr.rel @p2 .LBB2_8-.Ltmp6, $4  }
0xa2: {  	_ = 	snop  }
0xa3: {  	[spmem:s13] =	stream.linear.scatter [tilespmem:s25], [sflag:$0x3], $0x2800, $0x38;
	[tilespmem:$0x1E180] =	vst v63  }
0xa4: {  	_ =	swait.ge [sflag:s26], $0x2800  }
0xa5: {  	[sflag:s26] =	ssyncset.done $0x0  }
.LBB2_9:
0xa6: {  	[sflag:s26] =	ssyncadd.s32 $0xFFFFD800  }
0xa7: {  	s12 =	simm.s32 $0x0;
	[bflag:$0x0] =	sbarrier.arrive $0xFFFF  }
0xa8: {  	[tilespmem:s12], [sflag:$0x1] =	stream.linear.gather [hbm4b:s9+s12], $0x80, $0x38;
	[tilespmem:$0x1E180] =	vst v63  }
0xa9: {  	s7 =	rddreg [dreg:$0x8]  }
0xaa: {  	[tilespmem:s28], [sflag:$0x1] =	stream.linear.gather [hbm4b:s7+s12], $0x4000, $0x38;
	[tilespmem:$0x1E180] =	vst v63  }
0xab: {  	_ = 	snop  }
0xac: {  	[tilespmem:s29], [sflag:$0x2] =	stream.linear.gather [hbm4b:s18+s3], $0x80, $0x38;
	[tilespmem:$0x1E180] =	vst v63  }
0xad: {  	s16 =	sadd.s32 $0x0, s22  }
0xae: {  	[tilespmem:s30], [sflag:$0x2] =	stream.linear.gather [hbm4b:s16+s3], $0x4000, $0x38;
	[tilespmem:$0x1E180] =	vst v63  }
0xaf: {  	_ =	swait.ge [sflag:s31], $0x80  }
0xb0: {  	[sflag:s31] =	ssyncset.done $0x0  }
0xb1: {  	[sflag:s31] =	ssyncadd.s32 $0xFFFFFF80  }
0xb2: {  	_ =	swait.ge [sflag:s31], $0x4000  }
0xb3: {  	[sflag:s31] =	ssyncset.done $0x0  }
0xb4: {  	[sflag:s31] =	ssyncadd.s32 $0xFFFFC000  }
0xb5: {  	[spmem:s2] =	stream.indirect.scatter.add.f32 [tilespmem:s28], [sflag:$0x3], $0x80, s3, s29, $0xb8;
	[tilespmem:$0x1E180] =	vst v63  }
0xb6: {  	_ =	swait.ge [sflag:s26], $0x4000  }
0xb7: {  	[sflag:s26] =	ssyncset.done $0x0  }
0xb8: {  	[sflag:s26] =	ssyncadd.s32 $0xFFFFC000  }
0xb9: {  	[tilespmem:s3], [sflag:$0x1] =	stream.linear.gather [hbm4b:s8+s3], $0x80, $0x38;
	[tilespmem:$0x1E180] =	vst v63  }
0xba: {  	s20 =	sadd.s32 $0x0, s23  }
0xbb: {  	[tilespmem:s28], [sflag:$0x1] =	stream.linear.gather [hbm4b:s20+s3], $0x4000, $0x38;
	[tilespmem:$0x1E180] =	vst v63  }
0xbc: {  	_ =	swait.ge [sflag:s0], $0x80  }
0xbd: {  	[sflag:s0] =	ssyncset.done $0x0  }
0xbe: {  	[sflag:s0] =	ssyncadd.s32 $0xFFFFFF80  }
0xbf: {  	_ =	swait.ge [sflag:s0], $0x4000  }
0xc0: {  	[sflag:s0] =	ssyncset.done $0x0  }
0xc1: {  	[sflag:s0] =	ssyncadd.s32 $0xFFFFC000  }
0xc2: {  	[spmem:s2] =	stream.indirect.scatter.add.f32 [tilespmem:s30], [sflag:$0x3], $0x80, s29, s29, $0xb8;
	[tilespmem:$0x1E180] =	vst v63  }
0xc3: {  	_ =	swait.ge [sflag:s26], $0x4000  }
0xc4: {  	s8 =	simm.s32 $0x10000;
	s20 =	smov.u32 s18;
	[sflag:s26] =	ssyncset.done $0x0  }
.LBB2_10:
0xc5: {  	p2 =	sne.s32 s8, $0x250000;
	[sflag:s26] =	ssyncadd.s32 $0xFFFFC000;
	s20 =	sadd.s32 $0x200, s20  }
0xc6: {  	[tilespmem:s29], [sflag:$0x2] =	stream.linear.gather [hbm4b:s20+s3], $0x80, $0x38;
	[tilespmem:$0x1E180] =	vst v63  }
0xc7: {  	s12 =	sadd.s32 s8, s22;
	s13 =	smov.u32 s8;
	s8 =	sadd.s32 $0x10000, s8  }
0xc8: {  	[tilespmem:s30], [sflag:$0x2] =	stream.linear.gather [hbm4b:s12+s3], $0x4000, $0x38;
	[tilespmem:$0x1E180] =	vst v63  }
0xc9: {  	_ =	swait.ge [sflag:s31], $0x80  }
0xca: {  	[sflag:s31] =	ssyncset.done $0x0  }
0xcb: {  	[sflag:s31] =	ssyncadd.s32 $0xFFFFFF80  }
0xcc: {  	_ =	swait.ge [sflag:s31], $0x4000  }
0xcd: {  	[sflag:s31] =	ssyncset.done $0x0  }
0xce: {  	[sflag:s31] =	ssyncadd.s32 $0xFFFFC000  }
0xcf: {  	[spmem:s2] =	stream.indirect.scatter.add.f32 [tilespmem:s28], [sflag:$0x3], $0x80, s3, s29, $0xb8;
	[tilespmem:$0x1E180] =	vst v63  }
0xd0: {  	_ =	swait.ge [sflag:s26], $0x4000  }
0xd1: {  	[sflag:s26] =	ssyncset.done $0x0  }
0xd2: {  	s12 =	sadd.s32 $0x100, s20;
	[sflag:s26] =	ssyncadd.s32 $0xFFFFC000  }
0xd3: {  	[tilespmem:s3], [sflag:$0x1] =	stream.linear.gather [hbm4b:s12+s3], $0x80, $0x38;
	[tilespmem:$0x1E180] =	vst v63  }
0xd4: {  	s12 =	sadd.s32 s13, s23  }
0xd5: {  	[tilespmem:s28], [sflag:$0x1] =	stream.linear.gather [hbm4b:s12+s3], $0x4000, $0x38;
	[tilespmem:$0x1E180] =	vst v63  }
0xd6: {  	_ =	swait.ge [sflag:s0], $0x80  }
0xd7: {  	[sflag:s0] =	ssyncset.done $0x0  }
0xd8: {  	[sflag:s0] =	ssyncadd.s32 $0xFFFFFF80  }
0xd9: {  	_ =	swait.ge [sflag:s0], $0x4000  }
.Ltmp7:
0xda: {  	[sflag:s0] =	ssyncset.done $0x0;
	(pc) =	sbr.rel @p2 .LBB2_10-.Ltmp7, $4  }
0xdb: {  	[sflag:s0] =	ssyncadd.s32 $0xFFFFC000  }
0xdc: {  	[spmem:s2] =	stream.indirect.scatter.add.f32 [tilespmem:s30], [sflag:$0x3], $0x80, s29, s29, $0xb8;
	[tilespmem:$0x1E180] =	vst v63  }
0xdd: {  	_ =	swait.ge [sflag:s26], $0x4000  }
0xde: {  	[sflag:s26] =	ssyncset.done $0x0  }
0xdf: {  	[sflag:s26] =	ssyncadd.s32 $0xFFFFC000  }
0xe0: {  	[tilespmem:s29], [sflag:$0x2] =	stream.linear.gather [hbm4b:s14+s3], $0x80, $0x38;
	[tilespmem:$0x1E180] =	vst v63  }
0xe1: {  	s7 =	rddreg [dreg:$0xc]  }
0xe2: {  	[tilespmem:s30], [sflag:$0x2] =	stream.linear.gather [hbm4b:s7+s3], $0x4000, $0x38;
	[tilespmem:$0x1E180] =	vst v63  }
0xe3: {  	_ =	swait.ge [sflag:s31], $0x80  }
0xe4: {  	[sflag:s31] =	ssyncset.done $0x0  }
0xe5: {  	[sflag:s31] =	ssyncadd.s32 $0xFFFFFF80  }
0xe6: {  	_ =	swait.ge [sflag:s31], $0x4000  }
0xe7: {  	[sflag:s31] =	ssyncset.done $0x0  }
0xe8: {  	[sflag:s31] =	ssyncadd.s32 $0xFFFFC000  }
0xe9: {  	[spmem:s2] =	stream.indirect.scatter.add.f32 [tilespmem:s28], [sflag:$0x3], $0x80, s3, s29, $0xb8;
	[tilespmem:$0x1E180] =	vst v63  }
0xea: {  	_ =	swait.ge [sflag:s26], $0x4000  }
0xeb: {  	[sflag:s26] =	ssyncset.done $0x0  }
0xec: {  	[sflag:s26] =	ssyncadd.s32 $0xFFFFC000  }
0xed: {  	_ =	swait.ge [sflag:s0], $0x80  }
0xee: {  	[sflag:s0] =	ssyncset.done $0x0  }
0xef: {  	[sflag:s0] =	ssyncadd.s32 $0xFFFFFF80  }
0xf0: {  	_ =	swait.ge [sflag:s0], $0x4000  }
0xf1: {  	[sflag:s0] =	ssyncset.done $0x0  }
0xf2: {  	[sflag:s0] =	ssyncadd.s32 $0xFFFFC000  }
0xf3: {  	[spmem:s2] =	stream.indirect.scatter.add.f32 [tilespmem:s30], [sflag:$0x3], $0x80, s29, s29, $0xb8;
	[tilespmem:$0x1E180] =	vst v63  }
0xf4: {  	_ =	swait.ge [sflag:s26], $0x4000  }
0xf5: {  	s8 =	simm.s32 @!p0 $0x0;
	[sflag:s26] =	ssyncset.done $0x0  }
0xf6: {  	s12 =	simm.s32 @!p0 $0x3;
	s7 =	rddreg [dreg:$0x6];
	[sflag:s26] =	ssyncadd.s32 $0xFFFFC000  }
0xf7: {  	[tilespmem:s8], [sflag:$0x3] =	stream.linear.gather @!p0 [hbm4b:s7+s8], $0x80, $0x38;
	[tilespmem:$0x1E180] =	vst v63  }
0xf8: {  	_ =	swait.ge @!p0 [sflag:s12], $0x80  }
0xf9: {  	[sflag:s12] =	ssyncset.done @!p0 $0x0  }
0xfa: {  	s13 =	simm.s32 @!p0 $0x100;
	s7 =	rddreg [dreg:$0x9];
	[sflag:s12] =	ssyncadd.s32 @!p0 $0xFFFFFF80  }
0xfb: {  	[tilespmem:s13], [sflag:$0x3] =	stream.linear.gather @!p0 [hbm4b:s7+s8], $0x4000, $0x38;
	[tilespmem:$0x1E180] =	vst v63  }
0xfc: {  	_ =	swait.ge @!p0 [sflag:s12], $0x4000  }
0xfd: {  	[sflag:s12] =	ssyncset.done @!p0 $0x0  }
0xfe: {  	s16 =	simm.s32 @!p0 $0x80;
	[sflag:s12] =	ssyncadd.s32 @!p0 $0xFFFFC000  }
0xff: {  	[spmem:s2] =	stream.indirect.scatter.add.f32 @!p0 [tilespmem:s13], [sflag:$0x3], $0x80, s8, s16, $0xb8;
	[tilespmem:$0x1E180] =	vst v63  }
0x100: {  	_ =	swait.ge @!p0 [sflag:s12], $0x4000  }
0x101: {  	[sflag:s12] =	ssyncset.done @!p0 $0x0  }
.Ltmp8:
0x102: {  	[sflag:s12] =	ssyncadd.s32 @!p0 $0xFFFFC000;
	(pc) =	sbr.rel @!p1 .LBB2_13-.Ltmp8, $4  }
0x103: {  	[bflag:$0x0] =	sbarrier.arrive $0xFFFF  }
0x104: {  	[hbm:s24], [sflag:s1] =	dma.local [spmem:s10], $0x500  }
0x105: {  	s8 =	sadd.s32 $0xFFFFFFFF, s6;
	_ =	swait.ge [sflag:s26], $0x500  }
0x106: {  	s12 =	smov.u32 s24;
	s10 =	sadd.s32 $0x28000, s15;
	[sflag:s26] =	ssyncset.done $0x0  }
.LBB2_12:
0x107: {  	s13 =	sshrl.u32 s10, $0x3  }
0x108: {  	[sflag:s26] =	ssyncadd.s32 $0xFFFFFB00;
	s12 =	sadd.s32 $0x5000, s12;
	p1 =	sne.s32 s8, $0x1  }
0x109: {  	[hbm:s12], [sflag:s1] =	dma.local [spmem:s13], $0x500  }
.Ltmp9:
0x10a: {  	_ = 	snop;
	(pc) =	sbr.rel @p1 .LBB2_12-.Ltmp9, $4  }
0x10b: {  	_ = 	snop  }
0x10c: {  	s8 =	sadd.s32 $0xFFFFFFFF, s8  }
0x10d: {  	_ =	swait.ge [sflag:s26], $0x500  }
0x10e: {  	s10 =	sadd.s32 $0x28000, s10;
	[sflag:s26] =	ssyncset.done $0x0  }
.LBB2_13:
0x10f: {  	s4 =	sadd.s32 $0x1, s4;
	s1 =	rddreg [dreg:$0xa]  }
0x110: {  	p1 =	sne.s32 s4, s1  }
.Ltmp10:
0x111: {  	_ = 	snop;
	(pc) =	sbr.rel @p1 .LBB2_1-.Ltmp10, $3  }
0x112: {  	_ = 	snop  }
0x113: {  	[sflag:s26] =	ssyncadd.s32 $0xFFFFFB00  }
0x114: {  	[bflag:$0x0] =	sbarrier.arrive $0xFFFF;
	_ =	sdelay $0x1  }
0x115: {  	_ =	sfence.sel $0x180000  }
0x116: {  	[bflag:$0x0] =	sbarrier.arrive $0xFFFF  }
0x117: {  	_ =	strace $0x90000047  }
0x118: {  	s0 =	stileid.u32;
	[bflag:$0x2] =	sbarrier.arrive $0xFFFF  }
0x119: {  	p0 =	sne.s32 s0, $0x0;
	s0 =	rddreg [dreg:$0x4]  }
0x11a: {  	s0 =	sadd.s32 @!p0 $0x100000, s0  }
0x11b: {  	[sflag:s0] =	ssyncadd.tile.s32 @!p0 $0x1;
	_ =	shalt  }
.Lfunc_end2:
_tile_overlayer_lowered:
.L_overlay_start_2:
0x11c: {  	(tag) =	ssettag $0x2  }
0x11d: {  	s0 =	rddreg [dreg:$0x0];
	s2 =	stileid.u32  }
0x11e: {  	s1 =	rddreg [dreg:$0x1];
	p0 =	sne.s32 s2, $0x0  }
0x11f: {  	s3 =	rddreg [dreg:$0x2];
	[bflag:$0x3] =	sbarrier.arrive $0xFFFF;
	s2 =	simm.s32 @!p0 $0x1C03  }
0x120: {  	[timem:s3], [sflag:s2] =	dma.local @!p0 [hbm:s0], s1  }
0x121: {  	s0 =	simm.s32 @!p0 $0x3  }
0x122: {  	_ =	swait.ge @!p0 [sflag:s0], s1  }
0x123: {  	s1 =	ssub.s32 @!p0 $0x0, s1;
	[sflag:s0] =	ssyncset.done @!p0 $0x0  }
0x124: {  	[sflag:s0] =	ssyncadd.s32 @!p0 s1  }
0x125: {  	[bflag:$0x3] =	sbarrier.arrive $0xFFFF  }
0x126: {  	_ =	shalt  }

</sc_bundles>
